<compile_context>
chip_gen: v7x
topology: tpu7x:2x2x1
jax: 0.10.2.dev20260603
libtpu: 0.0.44.dev20260713+nightly
codegen_flags: <defaults>
</compile_context>

<pallas_src>
import jax
import jax.numpy as jnp
from jax.experimental import pallas as pl

K = 20
EPS = 1e-5


def _knn(x, k):
    inner = -2.0 * jnp.einsum('bcn,bcm->bnm', x, x)
    xx = jnp.sum(x * x, axis=1, keepdims=True)
    pd = -xx - inner - jnp.transpose(xx, (0, 2, 1))
    _, idx = jax.lax.top_k(pd, k)
    return idx


def _get_graph_feature(x, k):
    B, C, N = x.shape
    idx = _knn(x, k)
    xt = jnp.transpose(x, (0, 2, 1))
    feat = jax.vmap(lambda f, i: f[i])(xt, idx)
    center = jnp.broadcast_to(xt[:, :, None, :], (B, N, k, C))
    out = jnp.concatenate([feat - center, center], axis=3)
    return jnp.transpose(out, (0, 3, 1, 2))


def _cbr(x, W, g, b):
    y = jnp.einsum('oi,bink->bonk', W, x)
    m = jnp.mean(y, axis=(0, 2, 3), keepdims=True)
    v = jnp.var(y, axis=(0, 2, 3), keepdims=True)
    y = (y - m) / jnp.sqrt(v + EPS)
    y = y * g[None, :, None, None] + b[None, :, None, None]
    return jax.nn.relu(y)


def _identity_kernel(x_ref, o_ref):
    o_ref[...] = x_ref[...]


def kernel(x, Ws, gs, bs):
    B = x.shape[0]
    N = x.shape[2]
    h = _get_graph_feature(x, K)
    h = _cbr(h, Ws[0], gs[0], bs[0])
    h = _cbr(h, Ws[1], gs[1], bs[1])
    x1 = jnp.max(h, axis=-1, keepdims=True)
    h = _get_graph_feature(x1[:, :, :, 0], K)
    h = _cbr(h, Ws[2], gs[2], bs[2])
    h = _cbr(h, Ws[3], gs[3], bs[3])
    x2 = jnp.max(h, axis=-1, keepdims=True)
    h = _get_graph_feature(x2[:, :, :, 0], K)
    h = _cbr(h, Ws[4], gs[4], bs[4])
    h = _cbr(h, Ws[5], gs[5], bs[5])
    x3 = jnp.max(h, axis=-1, keepdims=True)
    h = jnp.concatenate([x1, x2, x3], axis=1)
    h = _cbr(h, Ws[6], gs[6], bs[6])
    pooled = jnp.max(h, axis=2, keepdims=True)
    expand = jnp.broadcast_to(pooled, (B, 1024, N, 1))
    h = jnp.concatenate([expand, x1, x2, x3], axis=1)
    h = _cbr(h, Ws[7], gs[7], bs[7])
    h = _cbr(h, Ws[8], gs[8], bs[8])
    h = jnp.einsum('oi,bink->bonk', Ws[9], h)
    out = jnp.squeeze(h)
    return pl.pallas_call(
        _identity_kernel,
        out_shape=jax.ShapeDtypeStruct(out.shape, out.dtype),
    )(out)

# --- scband reference (transcript-rebuilt; emitter-appended) ---
"""Pipeline reference for scband-dgcnn-4621384810900 (READ-ONLY COPY).

The authoritative reference and input builder live on the scoring server;
editing this copy changes nothing except your own understanding.
"""

import jax, jax.numpy as jnp
import numpy as np

K = 20
EPS = 1e-5

def knn(x, k):
    inner = -2.0 * jnp.einsum('bcn,bcm->bnm', x, x)
    xx = jnp.sum(x * x, axis=1, keepdims=True)
    pd = -xx - inner - jnp.transpose(xx, (0, 2, 1))
    _, idx = jax.lax.top_k(pd, k)
    return idx

def get_graph_feature(x, k):
    B, C, N = x.shape
    idx = knn(x, k)
    xt = jnp.transpose(x, (0, 2, 1))
    feat = jax.vmap(lambda f, i: f[i])(xt, idx)
    center = jnp.broadcast_to(xt[:, :, None, :], (B, N, k, C))
    out = jnp.concatenate([feat - center, center], axis=3)
    return jnp.transpose(out, (0, 3, 1, 2))

def cbr(x, W, g, b):
    y = jnp.einsum('oi,bink->bonk', W, x)
    m = jnp.mean(y, axis=(0, 2, 3), keepdims=True)
    v = jnp.var(y, axis=(0, 2, 3), keepdims=True)
    y = (y - m) / jnp.sqrt(v + EPS)
    y = y * g[None, :, None, None] + b[None, :, None, None]
    return jax.nn.relu(y)

def _forward(x, Ws, gs, bs):
    B = x.shape[0]
    N = x.shape[2]
    h = get_graph_feature(x, K)
    h = cbr(h, Ws[0], gs[0], bs[0])
    h = cbr(h, Ws[1], gs[1], bs[1])
    x1 = jnp.max(h, axis=-1, keepdims=True)
    h = get_graph_feature(x1[:, :, :, 0], K)
    h = cbr(h, Ws[2], gs[2], bs[2])
    h = cbr(h, Ws[3], gs[3], bs[3])
    x2 = jnp.max(h, axis=-1, keepdims=True)
    h = get_graph_feature(x2[:, :, :, 0], K)
    h = cbr(h, Ws[4], gs[4], bs[4])
    h = cbr(h, Ws[5], gs[5], bs[5])
    x3 = jnp.max(h, axis=-1, keepdims=True)
    h = jnp.concatenate([x1, x2, x3], axis=1)
    h = cbr(h, Ws[6], gs[6], bs[6])
    pooled = jnp.max(h, axis=2, keepdims=True)
    expand = jnp.broadcast_to(pooled, (B, 1024, N, 1))
    h = jnp.concatenate([expand, x1, x2, x3], axis=1)
    h = cbr(h, Ws[7], gs[7], bs[7])
    h = cbr(h, Ws[8], gs[8], bs[8])
    h = jnp.einsum('oi,bink->bonk', Ws[9], h)
    return jnp.squeeze(h)

def setup_inputs(seed: int = 0):
    key = jax.random.key(seed)
    B, N = 32, 1024
    ks = jax.random.split(key, 12)
    x = jax.random.normal(ks[0], (B, 3, N), dtype=jnp.float32)
    dims = [(64, 6), (64, 64), (64, 128), (64, 64), (64, 128), (64, 64), (1024, 192), (512, 1216), (256, 512), (1, 256)]
    Ws = [jax.random.normal(ks[i + 1], d, dtype=jnp.float32) * (1.0 / np.sqrt(d[1])) for i, d in enumerate(dims)]
    gs = [jnp.ones((d[0],), dtype=jnp.float32) for d in dims[:9]]
    bs = [jnp.zeros((d[0],), dtype=jnp.float32) for d in dims[:9]]
    return {"x": x, "Ws": Ws, "gs": gs, "bs": bs}

def reference(x, Ws, gs, bs):
    return _forward(x, Ws, gs, bs)

if __name__ == "__main__":
    import jax
    _d = setup_inputs()
    print(jax.jit(kernel)(*tuple(_d.values())))

</pallas_src>

<mosaic_0001>
module attributes {stable_mosaic.version = 14 : i64} {
  func.func @_identity_kernel(%arg0: memref<32x1024xf32, #tpu.memory_space<vmem>>, %arg1: memref<32x1024xf32, #tpu.memory_space<vmem>>) attributes {dimension_semantics = [], scalar_prefetch = 0 : i64, scratch_operands = 0 : i64, tpu.core_type = #tpu.core_type<tc>} {
    %get3A = arith.constant 0 : index
    %get3A_0 = arith.constant 0 : index
    %get3A_1 = vector.load %arg0[%get3A, %get3A_0] : memref<32x1024xf32, #tpu.memory_space<vmem>>, vector<32x1024xf32>
    %swap3A = arith.constant 0 : index
    %swap3A_2 = arith.constant 0 : index
    %swap3A_3 = vector.load %arg1[%swap3A, %swap3A_2] : memref<32x1024xf32, #tpu.memory_space<vmem>>, vector<32x1024xf32>
    tpu.vector_store %arg1[%swap3A, %swap3A_2], %get3A_1 {strides = array<i32>} : memref<32x1024xf32, #tpu.memory_space<vmem>>, vector<32x1024xf32>,
    return
  }
}

</mosaic_0001>

<sc_bundles>
// kernel: sparse-core-data-format-call.1.cloned.1.call-start
scs
called_computation.1_lowered:
.L_overlay_start_0:
0x0: {  	s1 =	sld [smem:$0x3FD9]  }
0x1: {  	s2 =	sld [smem:$0x3FFE];
	_ =	sdelay $0x1  }
0x2: {  	s3 =	srdreg.scid  }
0x3: {  	s0 =	sand.u32 $0x1, s3  }
0x4: {  	s17 =	sshll.u32 s0, $0xA;
	s1 =	sadd.s32 s2, s1  }
0x5: {  	s1 =	sadd.s32 s1, s17  }
0x6: {  	[smem:$0x3FAB] =	sst s1  }
0x7: {  	_ = 	snop  }
0x8: {  	(tm) =	ssettm $0x1  }
0x9: {  	s18 =	sld [smem:$0x3FFB];
	_ =	sdelay $0x3  }
0xa: {  	_ =	strace s18  }
0xb: {  	s1 =	sld [smem:$0x3FFC];
	_ =	sdelay $0x3  }
0xc: {  	_ =	strace s1  }
0xd: {  	s1 =	sld [smem:$0x3FFD];
	_ =	sdelay $0x3  }
0xe: {  	_ =	strace s1  }
0xf: {  	_ =	strace $0x8FFFFFFF  }
0x10: {  	s19 =	sld [smem:$0x3FDB];
	_ =	sdelay $0x1  }
0x11: {  	s20 =	simm.s32 $_scs_section_size  }
0x12: {  	s4 =	simm.s32 $_size__tile_overlayer_lowered;
	s5 =	simm.s32 $_tile_overlayer_lowered  }
0x13: {  	s23 =	simm.s32 $0x1BFF;
	s22 =	sshll.u32 s5, $0x1;
	s1 =	sadd.s32 s20, s19  }
0x14: {  	s6 =	simm.s32 $0x0;
	s21 =	sshll.u32 s4, $0x1;
	s4 =	sadd.s32 s22, s1  }
0x15: {  	[timem:s6], [sflag:s23] =	dma.local [hbm:s4], s21  }
0x16: {  	_ =	swait.ge [sflag:s23], s21  }
0x17: {  	s2 =	ssub.s32 $0x0, s21;
	[sflag:s23] =	ssyncset.done $0x0  }
0x18: {  	[sflag:s23] =	ssyncadd.s32 s2;
	_ =	sdelay $0x1  }
0x19: {  	s24 =	simm.s32 $0x1B8B  }
0x1a: {  	_ =	swait.ge [sflag:s24], $0x1  }
0x1b: {  	[sflag:s24] =	ssyncset.done $0x0  }
0x1c: {  	s26 =	simm.s32 $0x1B8E;
	s25 =	sld [smem:$0x3FFE];
	[sflag:s24] =	ssyncadd.s32 $0xFFFFFFFF  }
0x1d: {  	s27 =	simm.s32 $execute0_lowered;
	[smem:$0x3FD2] =	sst s26  }
0x1e: {  	s4 =	sshll.u32 s27, $0x1;
	_ =	strace $0x8000004F;
	[dreg:$0x1] =	wrdreg $0xFFFFFFFF  }
0x1f: {  	s28 =	simm.s32 $_size_execute0_lowered;
	s1 =	sadd.s32 s1, s4;
	[dreg:$0x0] =	wrdreg $0x0  }
0x20: {  	s4 =	sshll.u32 s28, $0x1;
	[dreg:$0x2] =	wrdreg s1  }
0x21: {  	[dreg:$0x3] =	wrdreg s4  }
0x22: {  	[dreg:$0x4] =	wrdreg $0xC0  }
0x23: {  	_ =	task [dreg:s6], $0x5FFFF  }
0x24: {  	[dreg:$0x1] =	wrdreg $0xFFFFFFFF  }
0x25: {  	[dreg:$0x0] =	wrdreg $0x60  }
0x26: {  	[dreg:$0x2] =	wrdreg s25  }
0x27: {  	[dreg:$0x3] =	wrdreg $0x9  }
0x28: {  	_ =	task.clear_ibuf [dreg:s6], $0x4FFFF;
	_ =	strace $0x9000004F  }
0x29: {  	s29 =	simm.s32 $0x9;
	_ =	strace $0x80000051  }
0x2a: {  	_ =	swait.ge [sflag:s29], $0x1  }
0x2b: {  	[sflag:s29] =	ssyncadd.s32 $0xFFFFFFFF  }
0x2c: {  	_ =	strace $0x90000051  }
0x2d: {  	_ =	sfence  }
0x2e: {  	s30 =	sld [smem:$0x0];
	_ =	sdelay $0x2  }
0x2f: {  	s31 =	sshll.u32 s3, $0xD;
	s3 =	sshrl.u32 s3, $0x2  }
0x30: {  	s2 =	sand.u32 $0x4000, s31;
	s1 =	sadd.s32 s3, s30  }
0x31: {  	s0 =	sor.u32 s2, s0;
	s1 =	sshll.u32 s1, $0x11  }
0x32: {  	s0 =	sor.u32 s1, s0  }
0x33: {  	s0 =	sadd.s32 $0x8F2B, s0  }
0x34: {  	[sflag:s0] =	ssyncadd.remote.s32 $0x1  }
0x35: {  	_ =	sfence.sel $0xFFFF  }
0x36: {  	[dreg:$0x0] =	wrdreg $0xFFFFFFFF;
	(pc) =	sbr.abs _section_cstart, $3  }
0x37: {  	[dreg:$0x1] =	wrdreg $0xFFFFFFFF  }
0x38: {  	_ =	task.clear_ibuf [dreg:s6], $0x2FFFF;
	_ =	strace $0x9FFFFFFF  }
0x39: {  	(tm) =	ssettm $0x7FFFFFFF  }
tec
execute0_lowered:
.L_overlay_start_1:
0x0: {  	(tag) =	ssettag $0x1  }
0x1: {  	s1 =	rddreg [dreg:$0x0]  }
0x2: {  	s0 =	rddreg [dreg:$0x1];
	_ =	strace $0x80000050  }
0x3: {  	s4 =	srdreg.scid;
	s6 =	simm.s32 $0x2;
	s13 =	simm.s32 $0x0  }
0x4: {  	p0 =	por $0x0, $0x0;
	s11 =	simm.s32 $0x0;
	s12 =	simm.s32 $0x0  }
.Ltmp0:
0x5: {  	s8 =	simm.s32 $0x0;
	s9 =	simm.s32 $0x0;
	(pc) =	sbr.rel .LBB1_1-.Ltmp0, $4  }
0x6: {  	s2 =	sadd.s32 $0x480000, s1;
	s3 =	sadd.s32 $0x880000, s1;
	s4 =	sshll.u32 s4, $0x4  }
0x7: {  	s1 =	stileid.u32;
	s5 =	sand.u32 $0x10, s4;
	s4 =	simm.s32 $0x1  }
0x8: {  	s7 =	simm.s32 $0x0;
	s5 =	sor.u32 s1, s5;
	[sflag:s4] =	ssyncpa.u1 $0x0  }
0x9: {  	[sflag:s6] =	ssyncpa.u1 $0x0;
	s6 =	simm.s32 $0x2000;
	s10 =	smov.u32 s5  }
.LBB1_5:
0xa: {  	s14 =	sadd.s32 $0x80, s8  }
0xb: {  	s11 =	sadd.s32 $0x80, s9;
	s15 =	smov.u32 s9;
	p2 =	sgt.s32 s14, $0x3FF  }
0xc: {  	s15 =	smov.u32 @p2 s11  }
0xd: {  	s17 =	smov.u32 s10;
	s11 =	sadd.s32 $0x20, s10;
	p3 =	sgt.s32 s15, $0x3FF  }
0xe: {  	p1 =	slt.u32 s7, $0x2;
	s17 =	smov.u32 @p3 s11  }
0xf: {  	s7 =	sadd.s32 $0x1, s7;
	s14 =	simm.s32 @p2 $0x0;
	p2 =	sgt.s32 s17, $0x1F  }
0x10: {  	s17 =	smov.u32 @p2 s5;
	p2 =	sne.s32 s7, $0x42  }
.Ltmp1:
0x11: {  	s16 =	simm.s32 @!p1 $0x2;
	(pc) =	sbr.rel @!p2 .LBB1_6-.Ltmp1, $4  }
0x12: {  	s13 =	smov.u32 s8;
	_ =	swait.ge @!p1 [sflag:s16], $0x4000  }
0x13: {  	s12 =	smov.u32 s10;
	p0 =	por !p0, !p0;
	[sflag:s16] =	ssyncset.done @!p1 $0x0  }
0x14: {  	s8 =	smov.u32 s14;
	s15 =	simm.s32 @p3 $0x0;
	s11 =	smov.u32 s9  }
0x15: {  	[sflag:s16] =	ssyncadd.s32 @!p1 $0xFFFFC000;
	s9 =	smov.u32 s15;
	s10 =	smov.u32 s17  }
.LBB1_1:
0x16: {  	p1 =	sgt.u32 s7, $0x3F  }
0x17: {  	s14 =	sshll.u32 @!p1 s9, $0x7  }
0x18: {  	s15 =	sxor.u32 @!p1 $0xFFFFFFFF, s7;
	s16 =	sand.u32 @!p1 $0x78, s8;
	s17 =	sand.u32 @!p1 $0x380, s14  }
0x19: {  	s15 =	sshll.u32 @!p1 s15, $0xE;
	s16 =	sor.u32 @!p1 s16, s17;
	s17 =	sshll.u32 @!p1 s10, $0x11  }
0x1a: {  	s14 =	sand.u32 @!p1 $0x1FC00, s14;
	s16 =	sshrl.u32 @!p1 s16, $0x3;
	s17 =	sadd.s32 @!p1 s2, s17  }
0x1b: {  	s14 =	sadd.s32 @!p1 s8, s14;
	s16 =	sadd.s32 @!p1 s16, s17;
	s17 =	sand.u32 @!p1 $0x7, s8  }
0x1c: {  	s15 =	sand.u32 @!p1 $0x4000, s15;
	s14 =	sand.u32 @!p1 $0x1FF80, s14;
	s17 =	sshll.u32 @!p1 s17, $0x12  }
0x1d: {  	s14 =	sadd.s32 @!p1 s14, s16;
	s16 =	sor.u32 @!p1 $0x400, s17;
	s17 =	simm.s32 @!p1 $0x2000  }
0x1e: {  	[tilespmem:s15], [sflag:$0x1] =	stream.strided.gather @!p1 [hbm4b:s14+s16], $0x4000, s17, s16, $0x38;
	[tilespmem:$0x10100] =	vst v63  }
0x1f: {  	p1 =	seq.s32 s7, $0x0  }
0x20: {  	p2 =	seq.s32 @!p1 s7, $0x41  }
0x21: {  	p1 =	por p1, p2  }
.Ltmp2:
0x22: {  	_ = 	snop;
	(pc) =	sbr.rel @p1 .LBB1_5-.Ltmp2, $1  }
0x23: {  	_ =	sdelay $0x3  }
0x24: {  	s14 =	simm.s32 $0x1  }
0x25: {  	_ =	swait.ge [sflag:s4], $0x4000;
	s14 =	simm.s32 @!p0 $0x0  }
0x26: {  	[sflag:s4] =	ssyncset.done $0x0;
	s15 =	sshll.u32 s14, $0xE  }
0x27: {  	[sflag:s4] =	ssyncadd.s32 $0xFFFFC000;
	s17 =	sor.u32 $0x40, s15  }
0x28: {  	s14 =	smul.u32 $0x10200, s14;
	v0 =	vld [tilespmem:s17+$0x30]  }
0x29: {  	v3 =	vld [tilespmem:s17+$0xFFFFFFD0]  }
0x2a: {  	s14 =	sshrl.u32 s14, $0x2;
	v4 =	vld [tilespmem:s17+$0xFFFFFFE0]  }
0x2b: {  	v5 =	vld [tilespmem:s17+$0xFFFFFFF0];
	s15 =	sor.u32 $0x8000, s14  }
0x2c: {  	s31 =	sand.u32 $0x1, s7;
	v1 =	vld [tilespmem:s17+$0x0];
	s16 =	sadd.s32 $0x0, s15  }
0x2d: {  	v2 =	vld [tilespmem:s17+$0x10];
	s14 =	smul.u32 $0x10200, s31;
	[tilespmem:s16+$0x3870 ss:$0x81] =	vst.msk $0xffff, v0  }
0x2e: {  	[tilespmem:s16+$0x810 ss:$0x81] =	vst.msk $0xffff, v3;
	v3 =	vld [tilespmem:s17+$0x20]  }
0x2f: {  	s14 =	sshrl.u32 s14, $0x2;
	v0 =	vld [tilespmem:s17+$0xFFFFFFC0];
	[tilespmem:s16+$0x1020 ss:$0x81] =	vst.msk $0xffff, v4;
	s17 =	sadd.s32 $0x80, s17  }
0x30: {  	s18 =	simm.s32 $0x4;
	s19 =	simm.s32 $0x8;
	s14 =	sor.u32 $0x8000, s14;
	[tilespmem:s16+$0x1830 ss:$0x81] =	vst.msk $0xffff, v5;
	v4 =	vld [tilespmem:s17+$0x30]  }
.LBB1_3:
0x31: {  	p1 =	sne.s32 s19, $0x1FC;
	v5 =	vld [tilespmem:s17+$0xFFFFFFD0];
	[tilespmem:s16+$0x2040 ss:$0x81] =	vst.msk $0xffff, v1  }
0x32: {  	v6 =	vld [tilespmem:s17+$0xFFFFFFE0];
	[tilespmem:s16+$0x2850 ss:$0x81] =	vst.msk $0xffff, v2  }
0x33: {  	s20 =	sshra.s32 s18, $0x2;
	s18 =	smov.u32 s19;
	v7 =	vld [tilespmem:s17+$0xFFFFFFF0];
	[tilespmem:s16+$0x3060 ss:$0x81] =	vst.msk $0xffff, v3  }
.Ltmp3:
0x34: {  	v1 =	vld [tilespmem:s17+$0x0];
	[tilespmem:s16+$0x0 ss:$0x81] =	vst.msk $0xffff, v0;
	s16 =	sadd.s32 s20, s15;
	(pc) =	sbr.rel @p1 .LBB1_3-.Ltmp3, $4  }
0x35: {  	v2 =	vld [tilespmem:s17+$0x10];
	[tilespmem:s16+$0x3870 ss:$0x81] =	vst.msk $0xffff, v4  }
0x36: {  	[tilespmem:s16+$0x810 ss:$0x81] =	vst.msk $0xffff, v5;
	v3 =	vld [tilespmem:s17+$0x20]  }
0x37: {  	v0 =	vld [tilespmem:s17+$0xFFFFFFC0];
	[tilespmem:s16+$0x1020 ss:$0x81] =	vst.msk $0xffff, v6;
	s17 =	sadd.s32 $0x80, s17  }
0x38: {  	s19 =	sadd.s32 $0x4, s19;
	v4 =	vld [tilespmem:s17+$0x30];
	[tilespmem:s16+$0x1830 ss:$0x81] =	vst.msk $0xffff, v7  }
0x39: {  	v5 =	vld [tilespmem:s17+$0xFFFFFFD0];
	[tilespmem:s16+$0x2040 ss:$0x81] =	vst.msk $0xffff, v1  }
0x3a: {  	v58 =	vld [tilespmem:s17+$0xFFFFFFE0];
	[tilespmem:s16+$0x2850 ss:$0x81] =	vst.msk $0xffff, v2  }
0x3b: {  	s18 =	sshra.s32 s18, $0x2;
	v59 =	vld [tilespmem:s17+$0xFFFFFFF0];
	[tilespmem:s16+$0x3060 ss:$0x81] =	vst.msk $0xffff, v3  }
0x3c: {  	v60 =	vld [tilespmem:s17+$0x0];
	s15 =	sadd.s32 s18, s15;
	[tilespmem:s16+$0x0 ss:$0x81] =	vst.msk $0xffff, v0  }
0x3d: {  	v61 =	vld [tilespmem:s17+$0x10];
	[tilespmem:s15+$0x3870 ss:$0x81] =	vst.msk $0xffff, v4  }
0x3e: {  	v62 =	vld [tilespmem:s17+$0x20];
	s26 =	sshll.u32 s13, $0xA;
	s27 =	sshll.u32 s11, $0x3;
	s29 =	sshll.u32 s13, $0x7;
	[tilespmem:s15+$0x810 ss:$0x81] =	vst.msk $0xffff, v5  }
0x3f: {  	v63 =	vld [tilespmem:s17+$0xFFFFFFC0];
	s30 =	sand.u32 $0x78, s11;
	s12 =	sshll.u32 s12, $0x11;
	s31 =	sand.u32 $0x7, s11;
	[tilespmem:s15+$0x1020 ss:$0x81] =	vst.msk $0xffff, v58  }
0x40: {  	s28 =	sand.u32 $0xFFC00, s27;
	s13 =	sand.u32 $0x380, s29;
	s16 =	sand.u32 $0xFE000, s26;
	[tilespmem:s15+$0x1830 ss:$0x81] =	vst.msk $0xffff, v59  }
.Ltmp4:
0x41: {  	s13 =	sor.u32 s30, s13;
	s16 =	sadd.s32 s28, s16;
	[tilespmem:s15+$0x2040 ss:$0x81] =	vst.msk $0xffff, v60;
	(pc) =	sbr.rel .LBB1_5-.Ltmp4, $4  }
0x42: {  	s12 =	sadd.s32 s3, s12;
	s13 =	sshrl.u32 s13, $0x3;
	s16 =	sshrl.u32 s16, $0x3;
	[tilespmem:s15+$0x2850 ss:$0x81] =	vst.msk $0xffff, v61  }
0x43: {  	s11 =	sshll.u32 s31, $0x12;
	s12 =	sadd.s32 s13, s12;
	[tilespmem:s15+$0x3060 ss:$0x81] =	vst.msk $0xffff, v62;
	s16 =	sand.u32 $0x1FF80, s16  }
0x44: {  	s11 =	sor.u32 $0x400, s11;
	[tilespmem:s15+$0x0 ss:$0x81] =	vst.msk $0xffff, v63;
	s12 =	sadd.s32 s16, s12  }
0x45: {  	[hbm4b:s12+s11] =	stream.strided.scatter [tilespmem:s14], [sflag:$0x2], $0x4000, s6, s11, $0x20;
	[tilespmem:$0x10100] =	vst v63  }
.LBB1_6:
0x46: {  	_ =	sfence.sel $0x180000  }
0x47: {  	s2 =	simm.s32 $0x1;
	[bflag:$0x0] =	sbarrier.arrive $0xFFFF  }
0x48: {  	s31 =	simm.s32 $0x2;
	[sflag:s2] =	ssyncpa.u1 $0x1  }
0x49: {  	[sflag:s31] =	ssyncpa.u1 $0x1  }
0x4a: {  	p0 =	sne.s32 s1, $0x0;
	_ =	strace $0x90000050  }
0x4b: {  	s0 =	sadd.s32 @!p0 $0x100000, s0;
	[bflag:$0x2] =	sbarrier.arrive $0xFFFF  }
0x4c: {  	[sflag:s0] =	ssyncadd.tile.s32 @!p0 $0x1;
	_ =	shalt  }
.Lfunc_end1:
_tile_overlayer_lowered:
.L_overlay_start_2:
0x4d: {  	(tag) =	ssettag $0x2  }
0x4e: {  	s0 =	rddreg [dreg:$0x0];
	s2 =	stileid.u32  }
0x4f: {  	s1 =	rddreg [dreg:$0x1];
	p0 =	sne.s32 s2, $0x0  }
0x50: {  	s3 =	rddreg [dreg:$0x2];
	[bflag:$0x3] =	sbarrier.arrive $0xFFFF;
	s2 =	simm.s32 @!p0 $0x1C01  }
0x51: {  	[timem:s3], [sflag:s2] =	dma.local @!p0 [hbm:s0], s1  }
0x52: {  	s0 =	simm.s32 @!p0 $0x1  }
0x53: {  	_ =	swait.ge @!p0 [sflag:s0], s1  }
0x54: {  	s1 =	ssub.s32 @!p0 $0x0, s1;
	[sflag:s0] =	ssyncset.done @!p0 $0x0  }
0x55: {  	[sflag:s0] =	ssyncadd.s32 @!p0 s1  }
0x56: {  	[bflag:$0x3] =	sbarrier.arrive $0xFFFF  }
0x57: {  	_ =	shalt  }

// kernel: sparse-core-data-format-call.2.cloned.1.call-start
scs
called_computation.2_lowered:
.L_overlay_start_0:
0x0: {  	s1 =	sld [smem:$0x3FD9]  }
0x1: {  	s2 =	sld [smem:$0x3FFE];
	_ =	sdelay $0x1  }
0x2: {  	s3 =	srdreg.scid  }
0x3: {  	s0 =	sand.u32 $0x1, s3  }
0x4: {  	s17 =	sshll.u32 s0, $0xA;
	s1 =	sadd.s32 s2, s1  }
0x5: {  	s1 =	sadd.s32 s1, s17  }
0x6: {  	[smem:$0x3FAB] =	sst s1  }
0x7: {  	_ = 	snop  }
0x8: {  	(tm) =	ssettm $0x1  }
0x9: {  	s18 =	sld [smem:$0x3FFB];
	_ =	sdelay $0x3  }
0xa: {  	_ =	strace s18  }
0xb: {  	s1 =	sld [smem:$0x3FFC];
	_ =	sdelay $0x3  }
0xc: {  	_ =	strace s1  }
0xd: {  	s1 =	sld [smem:$0x3FFD];
	_ =	sdelay $0x3  }
0xe: {  	_ =	strace s1  }
0xf: {  	_ =	strace $0x8FFFFFFF  }
0x10: {  	s19 =	sld [smem:$0x3FDB];
	_ =	sdelay $0x1  }
0x11: {  	s20 =	simm.s32 $_scs_section_size  }
0x12: {  	s4 =	simm.s32 $_size__tile_overlayer_lowered;
	s5 =	simm.s32 $_tile_overlayer_lowered  }
0x13: {  	s23 =	simm.s32 $0x1BFF;
	s22 =	sshll.u32 s5, $0x1;
	s1 =	sadd.s32 s20, s19  }
0x14: {  	s6 =	simm.s32 $0x0;
	s21 =	sshll.u32 s4, $0x1;
	s4 =	sadd.s32 s22, s1  }
0x15: {  	[timem:s6], [sflag:s23] =	dma.local [hbm:s4], s21  }
0x16: {  	_ =	swait.ge [sflag:s23], s21  }
0x17: {  	s2 =	ssub.s32 $0x0, s21;
	[sflag:s23] =	ssyncset.done $0x0  }
0x18: {  	[sflag:s23] =	ssyncadd.s32 s2;
	_ =	sdelay $0x1  }
0x19: {  	s24 =	simm.s32 $0x1B8B  }
0x1a: {  	_ =	swait.ge [sflag:s24], $0x1  }
0x1b: {  	[sflag:s24] =	ssyncset.done $0x0  }
0x1c: {  	s26 =	simm.s32 $0x1B8E;
	s25 =	sld [smem:$0x3FFE];
	[sflag:s24] =	ssyncadd.s32 $0xFFFFFFFF  }
0x1d: {  	s27 =	simm.s32 $execute0_lowered;
	[smem:$0x3FD2] =	sst s26  }
0x1e: {  	s4 =	sshll.u32 s27, $0x1;
	_ =	strace $0x8000004C;
	[dreg:$0x1] =	wrdreg $0xFFFFFFFF  }
0x1f: {  	s28 =	simm.s32 $_size_execute0_lowered;
	s1 =	sadd.s32 s1, s4;
	[dreg:$0x0] =	wrdreg $0x0  }
0x20: {  	s4 =	sshll.u32 s28, $0x1;
	[dreg:$0x2] =	wrdreg s1  }
0x21: {  	[dreg:$0x3] =	wrdreg s4  }
0x22: {  	[dreg:$0x4] =	wrdreg $0xC0  }
0x23: {  	_ =	task [dreg:s6], $0x5FFFF  }
0x24: {  	[dreg:$0x1] =	wrdreg $0xFFFFFFFF  }
0x25: {  	[dreg:$0x0] =	wrdreg $0x60  }
0x26: {  	[dreg:$0x2] =	wrdreg s25  }
0x27: {  	[dreg:$0x3] =	wrdreg $0x9  }
0x28: {  	_ =	task.clear_ibuf [dreg:s6], $0x4FFFF;
	_ =	strace $0x9000004C  }
0x29: {  	s29 =	simm.s32 $0x9;
	_ =	strace $0x8000004E  }
0x2a: {  	_ =	swait.ge [sflag:s29], $0x1  }
0x2b: {  	[sflag:s29] =	ssyncadd.s32 $0xFFFFFFFF  }
0x2c: {  	_ =	strace $0x9000004E  }
0x2d: {  	_ =	sfence  }
0x2e: {  	s30 =	sld [smem:$0x0];
	_ =	sdelay $0x2  }
0x2f: {  	s31 =	sshll.u32 s3, $0xD;
	s3 =	sshrl.u32 s3, $0x2  }
0x30: {  	s2 =	sand.u32 $0x4000, s31;
	s1 =	sadd.s32 s3, s30  }
0x31: {  	s0 =	sor.u32 s2, s0;
	s1 =	sshll.u32 s1, $0x11  }
0x32: {  	s0 =	sor.u32 s1, s0  }
0x33: {  	s0 =	sadd.s32 $0x8F2B, s0  }
0x34: {  	[sflag:s0] =	ssyncadd.remote.s32 $0x1  }
0x35: {  	_ =	sfence.sel $0xFFFF  }
0x36: {  	[dreg:$0x0] =	wrdreg $0xFFFFFFFF;
	(pc) =	sbr.abs _section_cstart, $3  }
0x37: {  	[dreg:$0x1] =	wrdreg $0xFFFFFFFF  }
0x38: {  	_ =	task.clear_ibuf [dreg:s6], $0x2FFFF;
	_ =	strace $0x9FFFFFFF  }
0x39: {  	(tm) =	ssettm $0x7FFFFFFF  }
tec
execute0_lowered:
.L_overlay_start_1:
0x0: {  	(tag) =	ssettag $0x1  }
0x1: {  	s1 =	rddreg [dreg:$0x0]  }
0x2: {  	s0 =	rddreg [dreg:$0x1];
	_ =	strace $0x8000004D  }
0x3: {  	s4 =	srdreg.scid;
	s6 =	simm.s32 $0x2;
	s12 =	simm.s32 $0x0  }
0x4: {  	p0 =	por $0x0, $0x0;
	s11 =	simm.s32 $0x0;
	s13 =	simm.s32 $0x0  }
.Ltmp0:
0x5: {  	s8 =	simm.s32 $0x0;
	s9 =	simm.s32 $0x0;
	(pc) =	sbr.rel .LBB1_1-.Ltmp0, $4  }
0x6: {  	s2 =	sadd.s32 $0xE80000, s1;
	s3 =	sadd.s32 $0x480000, s1;
	s4 =	sshll.u32 s4, $0x4  }
0x7: {  	s1 =	stileid.u32;
	s5 =	sand.u32 $0x10, s4;
	s4 =	simm.s32 $0x1  }
0x8: {  	s7 =	simm.s32 $0x0;
	s5 =	sor.u32 s1, s5;
	[sflag:s4] =	ssyncpa.u1 $0x0  }
0x9: {  	[sflag:s6] =	ssyncpa.u1 $0x0;
	s6 =	simm.s32 $0x2000;
	s10 =	smov.u32 s5  }
.LBB1_5:
0xa: {  	s14 =	sadd.s32 $0x1, s8  }
0xb: {  	s11 =	sadd.s32 $0x80, s9;
	s15 =	smov.u32 s9;
	p2 =	sgt.s32 s14, $0x13  }
0xc: {  	s15 =	smov.u32 @p2 s11  }
0xd: {  	s17 =	smov.u32 s10;
	s11 =	sadd.s32 $0x20, s10;
	p3 =	sgt.s32 s15, $0x3FF  }
0xe: {  	p1 =	slt.u32 s7, $0x2;
	s17 =	smov.u32 @p3 s11  }
0xf: {  	s7 =	sadd.s32 $0x1, s7;
	s14 =	simm.s32 @p2 $0x0;
	p2 =	sgt.s32 s17, $0x1F  }
0x10: {  	s17 =	smov.u32 @p2 s5;
	p2 =	sne.s32 s7, $0xA2  }
.Ltmp1:
0x11: {  	s16 =	simm.s32 @!p1 $0x2;
	(pc) =	sbr.rel @!p2 .LBB1_6-.Ltmp1, $4  }
0x12: {  	s12 =	smov.u32 s8;
	_ =	swait.ge @!p1 [sflag:s16], $0x2000  }
0x13: {  	s13 =	smov.u32 s10;
	p0 =	por !p0, !p0;
	[sflag:s16] =	ssyncset.done @!p1 $0x0  }
0x14: {  	s8 =	smov.u32 s14;
	s15 =	simm.s32 @p3 $0x0;
	s11 =	smov.u32 s9  }
0x15: {  	[sflag:s16] =	ssyncadd.s32 @!p1 $0xFFFFE000;
	s9 =	smov.u32 s15;
	s10 =	smov.u32 s17  }
.LBB1_1:
0x16: {  	p1 =	sgt.u32 s7, $0x9F  }
0x17: {  	s14 =	sand.u32 @!p1 $0x1FFFFFF, s8;
	s16 =	smul.u32 @!p1 $0x60000, s10  }
0x18: {  	s15 =	smulhi.u32 @!p1 $0xAAAAAAB, s14  }
0x19: {  	s18 =	smul.u32 @!p1 $0x180, s9  }
0x1a: {  	s15 =	smul.u32 @!p1 $0x18, s15  }
0x1b: {  	s16 =	sadd.s32 @!p1 s2, s16  }
0x1c: {  	s17 =	sxor.u32 @!p1 $0xFFFFFFFF, s7;
	s16 =	sadd.s32 @!p1 s18, s16;
	s14 =	ssub.s32 @!p1 s14, s15  }
0x1d: {  	s15 =	sshll.u32 @!p1 s17, $0xD;
	s17 =	simm.s32 @!p1 $0xC00;
	s14 =	sshll.u32 @!p1 s14, $0x4  }
0x1e: {  	s15 =	sand.u32 @!p1 $0x2000, s15;
	s14 =	sadd.s32 @!p1 s14, s16;
	s16 =	simm.s32 @!p1 $0x40  }
0x1f: {  	[tilespmem:s15], [sflag:$0x1] =	stream.strided.gather @!p1 [hbm4b:s14+s16], $0x2000, s17, s16, $0x38;
	[tilespmem:$0x8080] =	vst v63  }
0x20: {  	p1 =	seq.s32 s7, $0x0  }
0x21: {  	p2 =	seq.s32 @!p1 s7, $0xA1  }
0x22: {  	p1 =	por p1, p2  }
.Ltmp2:
0x23: {  	_ = 	snop;
	(pc) =	sbr.rel @p1 .LBB1_5-.Ltmp2, $1  }
0x24: {  	_ =	sdelay $0x3  }
0x25: {  	s14 =	simm.s32 $0x1  }
0x26: {  	_ =	swait.ge [sflag:s4], $0x2000;
	s14 =	simm.s32 @!p0 $0x0  }
0x27: {  	[sflag:s4] =	ssyncset.done $0x0;
	s15 =	sshll.u32 s14, $0xD  }
0x28: {  	[sflag:s4] =	ssyncadd.s32 $0xFFFFE000;
	s18 =	sor.u32 $0x20, s15  }
0x29: {  	s14 =	smul.u32 $0x8100, s14;
	v3 =	vld [tilespmem:s18+$0x10]  }
0x2a: {  	s30 =	sand.u32 $0x1, s7;
	v2 =	vld [tilespmem:s18+$0xFFFFFFF0]  }
0x2b: {  	s15 =	smul.u32 $0x8100, s30;
	s14 =	sshrl.u32 s14, $0x2;
	v0 =	vld [tilespmem:s18+$0x0]  }
0x2c: {  	v1 =	vld [tilespmem:s18+$0xFFFFFFE0];
	s16 =	sor.u32 $0x4000, s14  }
0x2d: {  	s31 =	sshrl.u32 s15, $0x2;
	s15 =	sadd.s32 $0x0, s16  }
0x2e: {  	s17 =	simm.s32 $0x4;
	s18 =	sadd.s32 $0x40, s18;
	s14 =	sor.u32 $0x4000, s31;
	[tilespmem:s15+$0x1830 ss:$0x81] =	vst.msk $0xffff, v3  }
.LBB1_3:
0x2f: {  	v3 =	vld [tilespmem:s18+$0x10];
	p1 =	sne.s32 s17, $0x1FC;
	[tilespmem:s15+$0x810 ss:$0x81] =	vst.msk $0xffff, v2;
	s19 =	smov.u32 s17;
	s17 =	sadd.s32 $0x4, s17  }
.Ltmp3:
0x30: {  	v2 =	vld [tilespmem:s18+$0xFFFFFFF0];
	[tilespmem:s15+$0x1020 ss:$0x81] =	vst.msk $0xffff, v0;
	(pc) =	sbr.rel @p1 .LBB1_3-.Ltmp3, $4  }
0x31: {  	v0 =	vld [tilespmem:s18+$0x0];
	[tilespmem:s15+$0x0 ss:$0x81] =	vst.msk $0xffff, v1  }
0x32: {  	s15 =	sshra.s32 s19, $0x2;
	v1 =	vld [tilespmem:s18+$0xFFFFFFE0]  }
0x33: {  	s15 =	sadd.s32 s15, s16  }
0x34: {  	s18 =	sadd.s32 $0x40, s18;
	[tilespmem:s15+$0x1830 ss:$0x81] =	vst.msk $0xffff, v3  }
0x35: {  	s13 =	smul.u32 $0x28000, s13  }
0x36: {  	s16 =	sand.u32 $0x1F80, s11  }
.Ltmp4:
0x37: {  	s12 =	sshll.u32 s12, $0xD;
	s13 =	sadd.s32 s3, s13;
	(pc) =	sbr.rel .LBB1_5-.Ltmp4, $4  }
0x38: {  	[tilespmem:s15+$0x810 ss:$0x81] =	vst.msk $0xffff, v2;
	s17 =	sshrl.u32 s11, $0x3;
	s30 =	sand.u32 $0x7, s11;
	s13 =	sadd.s32 s16, s13  }
0x39: {  	[tilespmem:s15+$0x1020 ss:$0x81] =	vst.msk $0xffff, v0;
	s31 =	sand.u32 $0xF, s17;
	s11 =	sshll.u32 s30, $0x12;
	s12 =	sadd.s32 s12, s13  }
0x3a: {  	[tilespmem:s15+$0x0 ss:$0x81] =	vst.msk $0xffff, v1;
	s11 =	sor.u32 $0x400, s11;
	s12 =	sadd.s32 s31, s12  }
0x3b: {  	[hbm4b:s12+s11] =	stream.strided.scatter [tilespmem:s14], [sflag:$0x2], $0x2000, s6, s11, $0x20;
	[tilespmem:$0x8080] =	vst v63  }
.LBB1_6:
0x3c: {  	_ =	sfence.sel $0x180000  }
0x3d: {  	s2 =	simm.s32 $0x1;
	[bflag:$0x0] =	sbarrier.arrive $0xFFFF  }
0x3e: {  	s31 =	simm.s32 $0x2;
	[sflag:s2] =	ssyncpa.u1 $0x1  }
0x3f: {  	[sflag:s31] =	ssyncpa.u1 $0x1  }
0x40: {  	p0 =	sne.s32 s1, $0x0;
	_ =	strace $0x9000004D  }
0x41: {  	s0 =	sadd.s32 @!p0 $0x100000, s0;
	[bflag:$0x2] =	sbarrier.arrive $0xFFFF  }
0x42: {  	[sflag:s0] =	ssyncadd.tile.s32 @!p0 $0x1;
	_ =	shalt  }
.Lfunc_end1:
_tile_overlayer_lowered:
.L_overlay_start_2:
0x43: {  	(tag) =	ssettag $0x2  }
0x44: {  	s0 =	rddreg [dreg:$0x0];
	s2 =	stileid.u32  }
0x45: {  	s1 =	rddreg [dreg:$0x1];
	p0 =	sne.s32 s2, $0x0  }
0x46: {  	s3 =	rddreg [dreg:$0x2];
	[bflag:$0x3] =	sbarrier.arrive $0xFFFF;
	s2 =	simm.s32 @!p0 $0x1C01  }
0x47: {  	[timem:s3], [sflag:s2] =	dma.local @!p0 [hbm:s0], s1  }
0x48: {  	s0 =	simm.s32 @!p0 $0x1  }
0x49: {  	_ =	swait.ge @!p0 [sflag:s0], s1  }
0x4a: {  	s1 =	ssub.s32 @!p0 $0x0, s1;
	[sflag:s0] =	ssyncset.done @!p0 $0x0  }
0x4b: {  	[sflag:s0] =	ssyncadd.s32 @!p0 s1  }
0x4c: {  	[bflag:$0x3] =	sbarrier.arrive $0xFFFF  }
0x4d: {  	_ =	shalt  }

// kernel: sparse-core-data-format-call.3.cloned.1.call-start
scs
called_computation.3_lowered:
.L_overlay_start_0:
0x0: {  	s1 =	sld [smem:$0x3FD9]  }
0x1: {  	s2 =	sld [smem:$0x3FFE];
	_ =	sdelay $0x1  }
0x2: {  	s3 =	srdreg.scid  }
0x3: {  	s0 =	sand.u32 $0x1, s3  }
0x4: {  	s17 =	sshll.u32 s0, $0xA;
	s1 =	sadd.s32 s2, s1  }
0x5: {  	s1 =	sadd.s32 s1, s17  }
0x6: {  	[smem:$0x3FAB] =	sst s1  }
0x7: {  	_ = 	snop  }
0x8: {  	(tm) =	ssettm $0x1  }
0x9: {  	s18 =	sld [smem:$0x3FFB];
	_ =	sdelay $0x3  }
0xa: {  	_ =	strace s18  }
0xb: {  	s1 =	sld [smem:$0x3FFC];
	_ =	sdelay $0x3  }
0xc: {  	_ =	strace s1  }
0xd: {  	s1 =	sld [smem:$0x3FFD];
	_ =	sdelay $0x3  }
0xe: {  	_ =	strace s1  }
0xf: {  	_ =	strace $0x8FFFFFFF  }
0x10: {  	s19 =	sld [smem:$0x3FDB];
	_ =	sdelay $0x1  }
0x11: {  	s20 =	simm.s32 $_scs_section_size  }
0x12: {  	s4 =	simm.s32 $_size__tile_overlayer_lowered;
	s5 =	simm.s32 $_tile_overlayer_lowered  }
0x13: {  	s23 =	simm.s32 $0x1BFF;
	s22 =	sshll.u32 s5, $0x1;
	s1 =	sadd.s32 s20, s19  }
0x14: {  	s6 =	simm.s32 $0x0;
	s21 =	sshll.u32 s4, $0x1;
	s4 =	sadd.s32 s22, s1  }
0x15: {  	[timem:s6], [sflag:s23] =	dma.local [hbm:s4], s21  }
0x16: {  	_ =	swait.ge [sflag:s23], s21  }
0x17: {  	s2 =	ssub.s32 $0x0, s21;
	[sflag:s23] =	ssyncset.done $0x0  }
0x18: {  	[sflag:s23] =	ssyncadd.s32 s2;
	_ =	sdelay $0x1  }
0x19: {  	s24 =	simm.s32 $0x1B8B  }
0x1a: {  	_ =	swait.ge [sflag:s24], $0x1  }
0x1b: {  	[sflag:s24] =	ssyncset.done $0x0  }
0x1c: {  	s26 =	simm.s32 $0x1B8E;
	s25 =	sld [smem:$0x3FFE];
	[sflag:s24] =	ssyncadd.s32 $0xFFFFFFFF  }
0x1d: {  	s27 =	simm.s32 $execute0_lowered;
	[smem:$0x3FD2] =	sst s26  }
0x1e: {  	s4 =	sshll.u32 s27, $0x1;
	_ =	strace $0x80000049;
	[dreg:$0x1] =	wrdreg $0xFFFFFFFF  }
0x1f: {  	s28 =	simm.s32 $_size_execute0_lowered;
	s1 =	sadd.s32 s1, s4;
	[dreg:$0x0] =	wrdreg $0x0  }
0x20: {  	s4 =	sshll.u32 s28, $0x1;
	[dreg:$0x2] =	wrdreg s1  }
0x21: {  	[dreg:$0x3] =	wrdreg s4  }
0x22: {  	[dreg:$0x4] =	wrdreg $0xC0  }
0x23: {  	_ =	task [dreg:s6], $0x5FFFF  }
0x24: {  	[dreg:$0x1] =	wrdreg $0xFFFFFFFF  }
0x25: {  	[dreg:$0x0] =	wrdreg $0x60  }
0x26: {  	[dreg:$0x2] =	wrdreg s25  }
0x27: {  	[dreg:$0x3] =	wrdreg $0x9  }
0x28: {  	_ =	task.clear_ibuf [dreg:s6], $0x4FFFF;
	_ =	strace $0x90000049  }
0x29: {  	s29 =	simm.s32 $0x9;
	_ =	strace $0x8000004B  }
0x2a: {  	_ =	swait.ge [sflag:s29], $0x1  }
0x2b: {  	[sflag:s29] =	ssyncadd.s32 $0xFFFFFFFF  }
0x2c: {  	_ =	strace $0x9000004B  }
0x2d: {  	_ =	sfence  }
0x2e: {  	s30 =	sld [smem:$0x0];
	_ =	sdelay $0x2  }
0x2f: {  	s31 =	sshll.u32 s3, $0xD;
	s3 =	sshrl.u32 s3, $0x2  }
0x30: {  	s2 =	sand.u32 $0x4000, s31;
	s1 =	sadd.s32 s3, s30  }
0x31: {  	s0 =	sor.u32 s2, s0;
	s1 =	sshll.u32 s1, $0x11  }
0x32: {  	s0 =	sor.u32 s1, s0  }
0x33: {  	s0 =	sadd.s32 $0x8F2B, s0  }
0x34: {  	[sflag:s0] =	ssyncadd.remote.s32 $0x1  }
0x35: {  	_ =	sfence.sel $0xFFFF  }
0x36: {  	[dreg:$0x0] =	wrdreg $0xFFFFFFFF;
	(pc) =	sbr.abs _section_cstart, $3  }
0x37: {  	[dreg:$0x1] =	wrdreg $0xFFFFFFFF  }
0x38: {  	_ =	task.clear_ibuf [dreg:s6], $0x2FFFF;
	_ =	strace $0x9FFFFFFF  }
0x39: {  	(tm) =	ssettm $0x7FFFFFFF  }
tec
execute0_lowered:
.L_overlay_start_1:
0x0: {  	(tag) =	ssettag $0x1  }
0x1: {  	s1 =	rddreg [dreg:$0x0]  }
0x2: {  	s0 =	rddreg [dreg:$0x1];
	_ =	strace $0x8000004A  }
0x3: {  	s4 =	srdreg.scid;
	s6 =	simm.s32 $0x2;
	s13 =	simm.s32 $0x0  }
0x4: {  	p0 =	por $0x0, $0x0;
	s11 =	simm.s32 $0x0;
	s12 =	simm.s32 $0x0  }
.Ltmp0:
0x5: {  	s8 =	simm.s32 $0x0;
	s9 =	simm.s32 $0x0;
	(pc) =	sbr.rel .LBB1_1-.Ltmp0, $4  }
0x6: {  	s2 =	sadd.s32 $0x480000, s1;
	s3 =	sadd.s32 $0x880000, s1;
	s4 =	sshll.u32 s4, $0x4  }
0x7: {  	s1 =	stileid.u32;
	s5 =	sand.u32 $0x10, s4;
	s4 =	simm.s32 $0x1  }
0x8: {  	s7 =	simm.s32 $0x0;
	s5 =	sor.u32 s1, s5;
	[sflag:s4] =	ssyncpa.u1 $0x0  }
0x9: {  	[sflag:s6] =	ssyncpa.u1 $0x0;
	s6 =	simm.s32 $0x2000;
	s10 =	smov.u32 s5  }
.LBB1_5:
0xa: {  	s14 =	sadd.s32 $0x80, s8  }
0xb: {  	s11 =	sadd.s32 $0x80, s9;
	s15 =	smov.u32 s9;
	p2 =	sgt.s32 s14, $0x3FF  }
0xc: {  	s15 =	smov.u32 @p2 s11  }
0xd: {  	s17 =	smov.u32 s10;
	s11 =	sadd.s32 $0x20, s10;
	p3 =	sgt.s32 s15, $0x3FF  }
0xe: {  	p1 =	slt.u32 s7, $0x2;
	s17 =	smov.u32 @p3 s11  }
0xf: {  	s7 =	sadd.s32 $0x1, s7;
	s14 =	simm.s32 @p2 $0x0;
	p2 =	sgt.s32 s17, $0x1F  }
0x10: {  	s17 =	smov.u32 @p2 s5;
	p2 =	sne.s32 s7, $0x42  }
.Ltmp1:
0x11: {  	s16 =	simm.s32 @!p1 $0x2;
	(pc) =	sbr.rel @!p2 .LBB1_6-.Ltmp1, $4  }
0x12: {  	s13 =	smov.u32 s8;
	_ =	swait.ge @!p1 [sflag:s16], $0x4000  }
0x13: {  	s12 =	smov.u32 s10;
	p0 =	por !p0, !p0;
	[sflag:s16] =	ssyncset.done @!p1 $0x0  }
0x14: {  	s8 =	smov.u32 s14;
	s15 =	simm.s32 @p3 $0x0;
	s11 =	smov.u32 s9  }
0x15: {  	[sflag:s16] =	ssyncadd.s32 @!p1 $0xFFFFC000;
	s9 =	smov.u32 s15;
	s10 =	smov.u32 s17  }
.LBB1_1:
0x16: {  	p1 =	sgt.u32 s7, $0x3F  }
0x17: {  	s14 =	sshll.u32 @!p1 s9, $0x7  }
0x18: {  	s15 =	sxor.u32 @!p1 $0xFFFFFFFF, s7;
	s16 =	sand.u32 @!p1 $0x78, s8;
	s17 =	sand.u32 @!p1 $0x380, s14  }
0x19: {  	s15 =	sshll.u32 @!p1 s15, $0xE;
	s16 =	sor.u32 @!p1 s16, s17;
	s17 =	sshll.u32 @!p1 s10, $0x11  }
0x1a: {  	s14 =	sand.u32 @!p1 $0x1FC00, s14;
	s16 =	sshrl.u32 @!p1 s16, $0x3;
	s17 =	sadd.s32 @!p1 s2, s17  }
0x1b: {  	s14 =	sadd.s32 @!p1 s8, s14;
	s16 =	sadd.s32 @!p1 s16, s17;
	s17 =	sand.u32 @!p1 $0x7, s8  }
0x1c: {  	s15 =	sand.u32 @!p1 $0x4000, s15;
	s14 =	sand.u32 @!p1 $0x1FF80, s14;
	s17 =	sshll.u32 @!p1 s17, $0x12  }
0x1d: {  	s14 =	sadd.s32 @!p1 s14, s16;
	s16 =	sor.u32 @!p1 $0x400, s17;
	s17 =	simm.s32 @!p1 $0x2000  }
0x1e: {  	[tilespmem:s15], [sflag:$0x1] =	stream.strided.gather @!p1 [hbm4b:s14+s16], $0x4000, s17, s16, $0x38;
	[tilespmem:$0x10100] =	vst v63  }
0x1f: {  	p1 =	seq.s32 s7, $0x0  }
0x20: {  	p2 =	seq.s32 @!p1 s7, $0x41  }
0x21: {  	p1 =	por p1, p2  }
.Ltmp2:
0x22: {  	_ = 	snop;
	(pc) =	sbr.rel @p1 .LBB1_5-.Ltmp2, $1  }
0x23: {  	_ =	sdelay $0x3  }
0x24: {  	s14 =	simm.s32 $0x1  }
0x25: {  	_ =	swait.ge [sflag:s4], $0x4000;
	s14 =	simm.s32 @!p0 $0x0  }
0x26: {  	[sflag:s4] =	ssyncset.done $0x0;
	s15 =	sshll.u32 s14, $0xE  }
0x27: {  	[sflag:s4] =	ssyncadd.s32 $0xFFFFC000;
	s17 =	sor.u32 $0x40, s15  }
0x28: {  	s14 =	smul.u32 $0x10200, s14;
	v0 =	vld [tilespmem:s17+$0x30]  }
0x29: {  	v3 =	vld [tilespmem:s17+$0xFFFFFFD0]  }
0x2a: {  	s14 =	sshrl.u32 s14, $0x2;
	v4 =	vld [tilespmem:s17+$0xFFFFFFE0]  }
0x2b: {  	v5 =	vld [tilespmem:s17+$0xFFFFFFF0];
	s15 =	sor.u32 $0x8000, s14  }
0x2c: {  	s31 =	sand.u32 $0x1, s7;
	v1 =	vld [tilespmem:s17+$0x0];
	s16 =	sadd.s32 $0x0, s15  }
0x2d: {  	v2 =	vld [tilespmem:s17+$0x10];
	s14 =	smul.u32 $0x10200, s31;
	[tilespmem:s16+$0x3870 ss:$0x81] =	vst.msk $0xffff, v0  }
0x2e: {  	[tilespmem:s16+$0x810 ss:$0x81] =	vst.msk $0xffff, v3;
	v3 =	vld [tilespmem:s17+$0x20]  }
0x2f: {  	s14 =	sshrl.u32 s14, $0x2;
	v0 =	vld [tilespmem:s17+$0xFFFFFFC0];
	[tilespmem:s16+$0x1020 ss:$0x81] =	vst.msk $0xffff, v4;
	s17 =	sadd.s32 $0x80, s17  }
0x30: {  	s18 =	simm.s32 $0x4;
	s19 =	simm.s32 $0x8;
	s14 =	sor.u32 $0x8000, s14;
	[tilespmem:s16+$0x1830 ss:$0x81] =	vst.msk $0xffff, v5;
	v4 =	vld [tilespmem:s17+$0x30]  }
.LBB1_3:
0x31: {  	p1 =	sne.s32 s19, $0x1FC;
	v5 =	vld [tilespmem:s17+$0xFFFFFFD0];
	[tilespmem:s16+$0x2040 ss:$0x81] =	vst.msk $0xffff, v1  }
0x32: {  	v6 =	vld [tilespmem:s17+$0xFFFFFFE0];
	[tilespmem:s16+$0x2850 ss:$0x81] =	vst.msk $0xffff, v2  }
0x33: {  	s20 =	sshra.s32 s18, $0x2;
	s18 =	smov.u32 s19;
	v7 =	vld [tilespmem:s17+$0xFFFFFFF0];
	[tilespmem:s16+$0x3060 ss:$0x81] =	vst.msk $0xffff, v3  }
.Ltmp3:
0x34: {  	v1 =	vld [tilespmem:s17+$0x0];
	[tilespmem:s16+$0x0 ss:$0x81] =	vst.msk $0xffff, v0;
	s16 =	sadd.s32 s20, s15;
	(pc) =	sbr.rel @p1 .LBB1_3-.Ltmp3, $4  }
0x35: {  	v2 =	vld [tilespmem:s17+$0x10];
	[tilespmem:s16+$0x3870 ss:$0x81] =	vst.msk $0xffff, v4  }
0x36: {  	[tilespmem:s16+$0x810 ss:$0x81] =	vst.msk $0xffff, v5;
	v3 =	vld [tilespmem:s17+$0x20]  }
0x37: {  	v0 =	vld [tilespmem:s17+$0xFFFFFFC0];
	[tilespmem:s16+$0x1020 ss:$0x81] =	vst.msk $0xffff, v6;
	s17 =	sadd.s32 $0x80, s17  }
0x38: {  	s19 =	sadd.s32 $0x4, s19;
	v4 =	vld [tilespmem:s17+$0x30];
	[tilespmem:s16+$0x1830 ss:$0x81] =	vst.msk $0xffff, v7  }
0x39: {  	v5 =	vld [tilespmem:s17+$0xFFFFFFD0];
	[tilespmem:s16+$0x2040 ss:$0x81] =	vst.msk $0xffff, v1  }
0x3a: {  	v58 =	vld [tilespmem:s17+$0xFFFFFFE0];
	[tilespmem:s16+$0x2850 ss:$0x81] =	vst.msk $0xffff, v2  }
0x3b: {  	s18 =	sshra.s32 s18, $0x2;
	v59 =	vld [tilespmem:s17+$0xFFFFFFF0];
	[tilespmem:s16+$0x3060 ss:$0x81] =	vst.msk $0xffff, v3  }
0x3c: {  	v60 =	vld [tilespmem:s17+$0x0];
	s15 =	sadd.s32 s18, s15;
	[tilespmem:s16+$0x0 ss:$0x81] =	vst.msk $0xffff, v0  }
0x3d: {  	v61 =	vld [tilespmem:s17+$0x10];
	[tilespmem:s15+$0x3870 ss:$0x81] =	vst.msk $0xffff, v4  }
0x3e: {  	v62 =	vld [tilespmem:s17+$0x20];
	s26 =	sshll.u32 s13, $0xA;
	s27 =	sshll.u32 s11, $0x3;
	s29 =	sshll.u32 s13, $0x7;
	[tilespmem:s15+$0x810 ss:$0x81] =	vst.msk $0xffff, v5  }
0x3f: {  	v63 =	vld [tilespmem:s17+$0xFFFFFFC0];
	s30 =	sand.u32 $0x78, s11;
	s12 =	sshll.u32 s12, $0x11;
	s31 =	sand.u32 $0x7, s11;
	[tilespmem:s15+$0x1020 ss:$0x81] =	vst.msk $0xffff, v58  }
0x40: {  	s28 =	sand.u32 $0xFFC00, s27;
	s13 =	sand.u32 $0x380, s29;
	s16 =	sand.u32 $0xFE000, s26;
	[tilespmem:s15+$0x1830 ss:$0x81] =	vst.msk $0xffff, v59  }
.Ltmp4:
0x41: {  	s13 =	sor.u32 s30, s13;
	s16 =	sadd.s32 s28, s16;
	[tilespmem:s15+$0x2040 ss:$0x81] =	vst.msk $0xffff, v60;
	(pc) =	sbr.rel .LBB1_5-.Ltmp4, $4  }
0x42: {  	s12 =	sadd.s32 s3, s12;
	s13 =	sshrl.u32 s13, $0x3;
	s16 =	sshrl.u32 s16, $0x3;
	[tilespmem:s15+$0x2850 ss:$0x81] =	vst.msk $0xffff, v61  }
0x43: {  	s11 =	sshll.u32 s31, $0x12;
	s12 =	sadd.s32 s13, s12;
	[tilespmem:s15+$0x3060 ss:$0x81] =	vst.msk $0xffff, v62;
	s16 =	sand.u32 $0x1FF80, s16  }
0x44: {  	s11 =	sor.u32 $0x400, s11;
	[tilespmem:s15+$0x0 ss:$0x81] =	vst.msk $0xffff, v63;
	s12 =	sadd.s32 s16, s12  }
0x45: {  	[hbm4b:s12+s11] =	stream.strided.scatter [tilespmem:s14], [sflag:$0x2], $0x4000, s6, s11, $0x20;
	[tilespmem:$0x10100] =	vst v63  }
.LBB1_6:
0x46: {  	_ =	sfence.sel $0x180000  }
0x47: {  	s2 =	simm.s32 $0x1;
	[bflag:$0x0] =	sbarrier.arrive $0xFFFF  }
0x48: {  	s31 =	simm.s32 $0x2;
	[sflag:s2] =	ssyncpa.u1 $0x1  }
0x49: {  	[sflag:s31] =	ssyncpa.u1 $0x1  }
0x4a: {  	p0 =	sne.s32 s1, $0x0;
	_ =	strace $0x9000004A  }
0x4b: {  	s0 =	sadd.s32 @!p0 $0x100000, s0;
	[bflag:$0x2] =	sbarrier.arrive $0xFFFF  }
0x4c: {  	[sflag:s0] =	ssyncadd.tile.s32 @!p0 $0x1;
	_ =	shalt  }
.Lfunc_end1:
_tile_overlayer_lowered:
.L_overlay_start_2:
0x4d: {  	(tag) =	ssettag $0x2  }
0x4e: {  	s0 =	rddreg [dreg:$0x0];
	s2 =	stileid.u32  }
0x4f: {  	s1 =	rddreg [dreg:$0x1];
	p0 =	sne.s32 s2, $0x0  }
0x50: {  	s3 =	rddreg [dreg:$0x2];
	[bflag:$0x3] =	sbarrier.arrive $0xFFFF;
	s2 =	simm.s32 @!p0 $0x1C01  }
0x51: {  	[timem:s3], [sflag:s2] =	dma.local @!p0 [hbm:s0], s1  }
0x52: {  	s0 =	simm.s32 @!p0 $0x1  }
0x53: {  	_ =	swait.ge @!p0 [sflag:s0], s1  }
0x54: {  	s1 =	ssub.s32 @!p0 $0x0, s1;
	[sflag:s0] =	ssyncset.done @!p0 $0x0  }
0x55: {  	[sflag:s0] =	ssyncadd.s32 @!p0 s1  }
0x56: {  	[bflag:$0x3] =	sbarrier.arrive $0xFFFF  }
0x57: {  	_ =	shalt  }

// kernel: sparse-core-data-format-call.4.cloned.1.call-start
scs
called_computation.4_lowered:
.L_overlay_start_0:
0x0: {  	s1 =	sld [smem:$0x3FD9]  }
0x1: {  	s2 =	sld [smem:$0x3FFE];
	_ =	sdelay $0x1  }
0x2: {  	s3 =	srdreg.scid  }
0x3: {  	s0 =	sand.u32 $0x1, s3  }
0x4: {  	s17 =	sshll.u32 s0, $0xA;
	s1 =	sadd.s32 s2, s1  }
0x5: {  	s1 =	sadd.s32 s1, s17  }
0x6: {  	[smem:$0x3FAB] =	sst s1  }
0x7: {  	_ = 	snop  }
0x8: {  	(tm) =	ssettm $0x1  }
0x9: {  	s18 =	sld [smem:$0x3FFB];
	_ =	sdelay $0x3  }
0xa: {  	_ =	strace s18  }
0xb: {  	s1 =	sld [smem:$0x3FFC];
	_ =	sdelay $0x3  }
0xc: {  	_ =	strace s1  }
0xd: {  	s1 =	sld [smem:$0x3FFD];
	_ =	sdelay $0x3  }
0xe: {  	_ =	strace s1  }
0xf: {  	_ =	strace $0x8FFFFFFF  }
0x10: {  	s19 =	sld [smem:$0x3FDB];
	_ =	sdelay $0x1  }
0x11: {  	s20 =	simm.s32 $_scs_section_size  }
0x12: {  	s4 =	simm.s32 $_size__tile_overlayer_lowered;
	s5 =	simm.s32 $_tile_overlayer_lowered  }
0x13: {  	s23 =	simm.s32 $0x1BFF;
	s22 =	sshll.u32 s5, $0x1;
	s1 =	sadd.s32 s20, s19  }
0x14: {  	s6 =	simm.s32 $0x0;
	s21 =	sshll.u32 s4, $0x1;
	s4 =	sadd.s32 s22, s1  }
0x15: {  	[timem:s6], [sflag:s23] =	dma.local [hbm:s4], s21  }
0x16: {  	_ =	swait.ge [sflag:s23], s21  }
0x17: {  	s2 =	ssub.s32 $0x0, s21;
	[sflag:s23] =	ssyncset.done $0x0  }
0x18: {  	[sflag:s23] =	ssyncadd.s32 s2;
	_ =	sdelay $0x1  }
0x19: {  	s24 =	simm.s32 $0x1B8B  }
0x1a: {  	_ =	swait.ge [sflag:s24], $0x1  }
0x1b: {  	[sflag:s24] =	ssyncset.done $0x0  }
0x1c: {  	s26 =	simm.s32 $0x1B8E;
	s25 =	sld [smem:$0x3FFE];
	[sflag:s24] =	ssyncadd.s32 $0xFFFFFFFF  }
0x1d: {  	s27 =	simm.s32 $execute0_lowered;
	[smem:$0x3FD2] =	sst s26  }
0x1e: {  	s4 =	sshll.u32 s27, $0x1;
	_ =	strace $0x80000046;
	[dreg:$0x1] =	wrdreg $0xFFFFFFFF  }
0x1f: {  	s28 =	simm.s32 $_size_execute0_lowered;
	s1 =	sadd.s32 s1, s4;
	[dreg:$0x0] =	wrdreg $0x0  }
0x20: {  	s4 =	sshll.u32 s28, $0x1;
	[dreg:$0x2] =	wrdreg s1  }
0x21: {  	[dreg:$0x3] =	wrdreg s4  }
0x22: {  	[dreg:$0x4] =	wrdreg $0xC0  }
0x23: {  	_ =	task [dreg:s6], $0x5FFFF  }
0x24: {  	[dreg:$0x1] =	wrdreg $0xFFFFFFFF  }
0x25: {  	[dreg:$0x0] =	wrdreg $0x60  }
0x26: {  	[dreg:$0x2] =	wrdreg s25  }
0x27: {  	[dreg:$0x3] =	wrdreg $0x9  }
0x28: {  	_ =	task.clear_ibuf [dreg:s6], $0x4FFFF;
	_ =	strace $0x90000046  }
0x29: {  	s29 =	simm.s32 $0x9;
	_ =	strace $0x80000048  }
0x2a: {  	_ =	swait.ge [sflag:s29], $0x1  }
0x2b: {  	[sflag:s29] =	ssyncadd.s32 $0xFFFFFFFF  }
0x2c: {  	_ =	strace $0x90000048  }
0x2d: {  	_ =	sfence  }
0x2e: {  	s30 =	sld [smem:$0x0];
	_ =	sdelay $0x2  }
0x2f: {  	s31 =	sshll.u32 s3, $0xD;
	s3 =	sshrl.u32 s3, $0x2  }
0x30: {  	s2 =	sand.u32 $0x4000, s31;
	s1 =	sadd.s32 s3, s30  }
0x31: {  	s0 =	sor.u32 s2, s0;
	s1 =	sshll.u32 s1, $0x11  }
0x32: {  	s0 =	sor.u32 s1, s0  }
0x33: {  	s0 =	sadd.s32 $0x8F2B, s0  }
0x34: {  	[sflag:s0] =	ssyncadd.remote.s32 $0x1  }
0x35: {  	_ =	sfence.sel $0xFFFF  }
0x36: {  	[dreg:$0x0] =	wrdreg $0xFFFFFFFF;
	(pc) =	sbr.abs _section_cstart, $3  }
0x37: {  	[dreg:$0x1] =	wrdreg $0xFFFFFFFF  }
0x38: {  	_ =	task.clear_ibuf [dreg:s6], $0x2FFFF;
	_ =	strace $0x9FFFFFFF  }
0x39: {  	(tm) =	ssettm $0x7FFFFFFF  }
tec
execute0_lowered:
.L_overlay_start_1:
0x0: {  	(tag) =	ssettag $0x1  }
0x1: {  	s1 =	rddreg [dreg:$0x0]  }
0x2: {  	s0 =	rddreg [dreg:$0x1];
	_ =	strace $0x80000047  }
0x3: {  	s4 =	srdreg.scid;
	s6 =	simm.s32 $0x2;
	s13 =	simm.s32 $0x0  }
0x4: {  	p0 =	por $0x0, $0x0;
	s11 =	simm.s32 $0x0;
	s12 =	simm.s32 $0x0  }
.Ltmp0:
0x5: {  	s8 =	simm.s32 $0x0;
	s9 =	simm.s32 $0x0;
	(pc) =	sbr.rel .LBB1_1-.Ltmp0, $4  }
0x6: {  	s2 =	sadd.s32 $0x80000, s1;
	s3 =	sadd.s32 $0x480000, s1;
	s4 =	sshll.u32 s4, $0x4  }
0x7: {  	s1 =	stileid.u32;
	s5 =	sand.u32 $0x10, s4;
	s4 =	simm.s32 $0x1  }
0x8: {  	s7 =	simm.s32 $0x0;
	s5 =	sor.u32 s1, s5;
	[sflag:s4] =	ssyncpa.u1 $0x0  }
0x9: {  	[sflag:s6] =	ssyncpa.u1 $0x0;
	s6 =	simm.s32 $0x2000;
	s10 =	smov.u32 s5  }
.LBB1_5:
0xa: {  	s14 =	sadd.s32 $0x80, s8  }
0xb: {  	s11 =	sadd.s32 $0x80, s9;
	s15 =	smov.u32 s9;
	p2 =	sgt.s32 s14, $0x3FF  }
0xc: {  	s15 =	smov.u32 @p2 s11  }
0xd: {  	s17 =	smov.u32 s10;
	s11 =	sadd.s32 $0x20, s10;
	p3 =	sgt.s32 s15, $0x3FF  }
0xe: {  	p1 =	slt.u32 s7, $0x2;
	s17 =	smov.u32 @p3 s11  }
0xf: {  	s7 =	sadd.s32 $0x1, s7;
	s14 =	simm.s32 @p2 $0x0;
	p2 =	sgt.s32 s17, $0x1F  }
0x10: {  	s17 =	smov.u32 @p2 s5;
	p2 =	sne.s32 s7, $0x42  }
.Ltmp1:
0x11: {  	s16 =	simm.s32 @!p1 $0x2;
	(pc) =	sbr.rel @!p2 .LBB1_6-.Ltmp1, $4  }
0x12: {  	s13 =	smov.u32 s8;
	_ =	swait.ge @!p1 [sflag:s16], $0x4000  }
0x13: {  	s12 =	smov.u32 s10;
	p0 =	por !p0, !p0;
	[sflag:s16] =	ssyncset.done @!p1 $0x0  }
0x14: {  	s8 =	smov.u32 s14;
	s15 =	simm.s32 @p3 $0x0;
	s11 =	smov.u32 s9  }
0x15: {  	[sflag:s16] =	ssyncadd.s32 @!p1 $0xFFFFC000;
	s9 =	smov.u32 s15;
	s10 =	smov.u32 s17  }
.LBB1_1:
0x16: {  	p1 =	sgt.u32 s7, $0x3F  }
0x17: {  	s14 =	sshll.u32 @!p1 s9, $0x7  }
0x18: {  	s15 =	sxor.u32 @!p1 $0xFFFFFFFF, s7;
	s16 =	sand.u32 @!p1 $0x78, s8;
	s17 =	sand.u32 @!p1 $0x380, s14  }
0x19: {  	s15 =	sshll.u32 @!p1 s15, $0xE;
	s16 =	sor.u32 @!p1 s16, s17;
	s17 =	sshll.u32 @!p1 s10, $0x11  }
0x1a: {  	s14 =	sand.u32 @!p1 $0x1FC00, s14;
	s16 =	sshrl.u32 @!p1 s16, $0x3;
	s17 =	sadd.s32 @!p1 s2, s17  }
0x1b: {  	s14 =	sadd.s32 @!p1 s8, s14;
	s16 =	sadd.s32 @!p1 s16, s17;
	s17 =	sand.u32 @!p1 $0x7, s8  }
0x1c: {  	s15 =	sand.u32 @!p1 $0x4000, s15;
	s14 =	sand.u32 @!p1 $0x1FF80, s14;
	s17 =	sshll.u32 @!p1 s17, $0x12  }
0x1d: {  	s14 =	sadd.s32 @!p1 s14, s16;
	s16 =	sor.u32 @!p1 $0x400, s17;
	s17 =	simm.s32 @!p1 $0x2000  }
0x1e: {  	[tilespmem:s15], [sflag:$0x1] =	stream.strided.gather @!p1 [hbm4b:s14+s16], $0x4000, s17, s16, $0x38;
	[tilespmem:$0x10100] =	vst v63  }
0x1f: {  	p1 =	seq.s32 s7, $0x0  }
0x20: {  	p2 =	seq.s32 @!p1 s7, $0x41  }
0x21: {  	p1 =	por p1, p2  }
.Ltmp2:
0x22: {  	_ = 	snop;
	(pc) =	sbr.rel @p1 .LBB1_5-.Ltmp2, $1  }
0x23: {  	_ =	sdelay $0x3  }
0x24: {  	s14 =	simm.s32 $0x1  }
0x25: {  	_ =	swait.ge [sflag:s4], $0x4000;
	s14 =	simm.s32 @!p0 $0x0  }
0x26: {  	[sflag:s4] =	ssyncset.done $0x0;
	s15 =	sshll.u32 s14, $0xE  }
0x27: {  	[sflag:s4] =	ssyncadd.s32 $0xFFFFC000;
	s17 =	sor.u32 $0x40, s15  }
0x28: {  	s14 =	smul.u32 $0x10200, s14;
	v0 =	vld [tilespmem:s17+$0x30]  }
0x29: {  	v3 =	vld [tilespmem:s17+$0xFFFFFFD0]  }
0x2a: {  	s14 =	sshrl.u32 s14, $0x2;
	v4 =	vld [tilespmem:s17+$0xFFFFFFE0]  }
0x2b: {  	v5 =	vld [tilespmem:s17+$0xFFFFFFF0];
	s15 =	sor.u32 $0x8000, s14  }
0x2c: {  	s31 =	sand.u32 $0x1, s7;
	v1 =	vld [tilespmem:s17+$0x0];
	s16 =	sadd.s32 $0x0, s15  }
0x2d: {  	v2 =	vld [tilespmem:s17+$0x10];
	s14 =	smul.u32 $0x10200, s31;
	[tilespmem:s16+$0x3870 ss:$0x81] =	vst.msk $0xffff, v0  }
0x2e: {  	[tilespmem:s16+$0x810 ss:$0x81] =	vst.msk $0xffff, v3;
	v3 =	vld [tilespmem:s17+$0x20]  }
0x2f: {  	s14 =	sshrl.u32 s14, $0x2;
	v0 =	vld [tilespmem:s17+$0xFFFFFFC0];
	[tilespmem:s16+$0x1020 ss:$0x81] =	vst.msk $0xffff, v4;
	s17 =	sadd.s32 $0x80, s17  }
0x30: {  	s18 =	simm.s32 $0x4;
	s19 =	simm.s32 $0x8;
	s14 =	sor.u32 $0x8000, s14;
	[tilespmem:s16+$0x1830 ss:$0x81] =	vst.msk $0xffff, v5;
	v4 =	vld [tilespmem:s17+$0x30]  }
.LBB1_3:
0x31: {  	p1 =	sne.s32 s19, $0x1FC;
	v5 =	vld [tilespmem:s17+$0xFFFFFFD0];
	[tilespmem:s16+$0x2040 ss:$0x81] =	vst.msk $0xffff, v1  }
0x32: {  	v6 =	vld [tilespmem:s17+$0xFFFFFFE0];
	[tilespmem:s16+$0x2850 ss:$0x81] =	vst.msk $0xffff, v2  }
0x33: {  	s20 =	sshra.s32 s18, $0x2;
	s18 =	smov.u32 s19;
	v7 =	vld [tilespmem:s17+$0xFFFFFFF0];
	[tilespmem:s16+$0x3060 ss:$0x81] =	vst.msk $0xffff, v3  }
.Ltmp3:
0x34: {  	v1 =	vld [tilespmem:s17+$0x0];
	[tilespmem:s16+$0x0 ss:$0x81] =	vst.msk $0xffff, v0;
	s16 =	sadd.s32 s20, s15;
	(pc) =	sbr.rel @p1 .LBB1_3-.Ltmp3, $4  }
0x35: {  	v2 =	vld [tilespmem:s17+$0x10];
	[tilespmem:s16+$0x3870 ss:$0x81] =	vst.msk $0xffff, v4  }
0x36: {  	[tilespmem:s16+$0x810 ss:$0x81] =	vst.msk $0xffff, v5;
	v3 =	vld [tilespmem:s17+$0x20]  }
0x37: {  	v0 =	vld [tilespmem:s17+$0xFFFFFFC0];
	[tilespmem:s16+$0x1020 ss:$0x81] =	vst.msk $0xffff, v6;
	s17 =	sadd.s32 $0x80, s17  }
0x38: {  	s19 =	sadd.s32 $0x4, s19;
	v4 =	vld [tilespmem:s17+$0x30];
	[tilespmem:s16+$0x1830 ss:$0x81] =	vst.msk $0xffff, v7  }
0x39: {  	v5 =	vld [tilespmem:s17+$0xFFFFFFD0];
	[tilespmem:s16+$0x2040 ss:$0x81] =	vst.msk $0xffff, v1  }
0x3a: {  	v58 =	vld [tilespmem:s17+$0xFFFFFFE0];
	[tilespmem:s16+$0x2850 ss:$0x81] =	vst.msk $0xffff, v2  }
0x3b: {  	s18 =	sshra.s32 s18, $0x2;
	v59 =	vld [tilespmem:s17+$0xFFFFFFF0];
	[tilespmem:s16+$0x3060 ss:$0x81] =	vst.msk $0xffff, v3  }
0x3c: {  	v60 =	vld [tilespmem:s17+$0x0];
	s15 =	sadd.s32 s18, s15;
	[tilespmem:s16+$0x0 ss:$0x81] =	vst.msk $0xffff, v0  }
0x3d: {  	v61 =	vld [tilespmem:s17+$0x10];
	[tilespmem:s15+$0x3870 ss:$0x81] =	vst.msk $0xffff, v4  }
0x3e: {  	v62 =	vld [tilespmem:s17+$0x20];
	s26 =	sshll.u32 s13, $0xA;
	s27 =	sshll.u32 s11, $0x3;
	s29 =	sshll.u32 s13, $0x7;
	[tilespmem:s15+$0x810 ss:$0x81] =	vst.msk $0xffff, v5  }
0x3f: {  	v63 =	vld [tilespmem:s17+$0xFFFFFFC0];
	s30 =	sand.u32 $0x78, s11;
	s12 =	sshll.u32 s12, $0x11;
	s31 =	sand.u32 $0x7, s11;
	[tilespmem:s15+$0x1020 ss:$0x81] =	vst.msk $0xffff, v58  }
0x40: {  	s28 =	sand.u32 $0xFFC00, s27;
	s13 =	sand.u32 $0x380, s29;
	s16 =	sand.u32 $0xFE000, s26;
	[tilespmem:s15+$0x1830 ss:$0x81] =	vst.msk $0xffff, v59  }
.Ltmp4:
0x41: {  	s13 =	sor.u32 s30, s13;
	s16 =	sadd.s32 s28, s16;
	[tilespmem:s15+$0x2040 ss:$0x81] =	vst.msk $0xffff, v60;
	(pc) =	sbr.rel .LBB1_5-.Ltmp4, $4  }
0x42: {  	s12 =	sadd.s32 s3, s12;
	s13 =	sshrl.u32 s13, $0x3;
	s16 =	sshrl.u32 s16, $0x3;
	[tilespmem:s15+$0x2850 ss:$0x81] =	vst.msk $0xffff, v61  }
0x43: {  	s11 =	sshll.u32 s31, $0x12;
	s12 =	sadd.s32 s13, s12;
	[tilespmem:s15+$0x3060 ss:$0x81] =	vst.msk $0xffff, v62;
	s16 =	sand.u32 $0x1FF80, s16  }
0x44: {  	s11 =	sor.u32 $0x400, s11;
	[tilespmem:s15+$0x0 ss:$0x81] =	vst.msk $0xffff, v63;
	s12 =	sadd.s32 s16, s12  }
0x45: {  	[hbm4b:s12+s11] =	stream.strided.scatter [tilespmem:s14], [sflag:$0x2], $0x4000, s6, s11, $0x20;
	[tilespmem:$0x10100] =	vst v63  }
.LBB1_6:
0x46: {  	_ =	sfence.sel $0x180000  }
0x47: {  	s2 =	simm.s32 $0x1;
	[bflag:$0x0] =	sbarrier.arrive $0xFFFF  }
0x48: {  	s31 =	simm.s32 $0x2;
	[sflag:s2] =	ssyncpa.u1 $0x1  }
0x49: {  	[sflag:s31] =	ssyncpa.u1 $0x1  }
0x4a: {  	p0 =	sne.s32 s1, $0x0;
	_ =	strace $0x90000047  }
0x4b: {  	s0 =	sadd.s32 @!p0 $0x100000, s0;
	[bflag:$0x2] =	sbarrier.arrive $0xFFFF  }
0x4c: {  	[sflag:s0] =	ssyncadd.tile.s32 @!p0 $0x1;
	_ =	shalt  }
.Lfunc_end1:
_tile_overlayer_lowered:
.L_overlay_start_2:
0x4d: {  	(tag) =	ssettag $0x2  }
0x4e: {  	s0 =	rddreg [dreg:$0x0];
	s2 =	stileid.u32  }
0x4f: {  	s1 =	rddreg [dreg:$0x1];
	p0 =	sne.s32 s2, $0x0  }
0x50: {  	s3 =	rddreg [dreg:$0x2];
	[bflag:$0x3] =	sbarrier.arrive $0xFFFF;
	s2 =	simm.s32 @!p0 $0x1C01  }
0x51: {  	[timem:s3], [sflag:s2] =	dma.local @!p0 [hbm:s0], s1  }
0x52: {  	s0 =	simm.s32 @!p0 $0x1  }
0x53: {  	_ =	swait.ge @!p0 [sflag:s0], s1  }
0x54: {  	s1 =	ssub.s32 @!p0 $0x0, s1;
	[sflag:s0] =	ssyncset.done @!p0 $0x0  }
0x55: {  	[sflag:s0] =	ssyncadd.s32 @!p0 s1  }
0x56: {  	[bflag:$0x3] =	sbarrier.arrive $0xFFFF  }
0x57: {  	_ =	shalt  }

// kernel: sparse-core-data-format-call.cloned.1.call-start
scs
called_computation_lowered:
.L_overlay_start_0:
0x0: {  	s1 =	sld [smem:$0x3FD9]  }
0x1: {  	s2 =	sld [smem:$0x3FFE];
	_ =	sdelay $0x1  }
0x2: {  	s3 =	srdreg.scid  }
0x3: {  	s0 =	sand.u32 $0x1, s3  }
0x4: {  	s17 =	sshll.u32 s0, $0xA;
	s1 =	sadd.s32 s2, s1  }
0x5: {  	s1 =	sadd.s32 s1, s17  }
0x6: {  	[smem:$0x3FAB] =	sst s1  }
0x7: {  	_ = 	snop  }
0x8: {  	(tm) =	ssettm $0x1  }
0x9: {  	s18 =	sld [smem:$0x3FFB];
	_ =	sdelay $0x3  }
0xa: {  	_ =	strace s18  }
0xb: {  	s1 =	sld [smem:$0x3FFC];
	_ =	sdelay $0x3  }
0xc: {  	_ =	strace s1  }
0xd: {  	s1 =	sld [smem:$0x3FFD];
	_ =	sdelay $0x3  }
0xe: {  	_ =	strace s1  }
0xf: {  	_ =	strace $0x8FFFFFFF  }
0x10: {  	s19 =	sld [smem:$0x3FDB];
	_ =	sdelay $0x1  }
0x11: {  	s20 =	simm.s32 $_scs_section_size  }
0x12: {  	s4 =	simm.s32 $_size__tile_overlayer_lowered;
	s5 =	simm.s32 $_tile_overlayer_lowered  }
0x13: {  	s23 =	simm.s32 $0x1BFF;
	s22 =	sshll.u32 s5, $0x1;
	s1 =	sadd.s32 s20, s19  }
0x14: {  	s6 =	simm.s32 $0x0;
	s21 =	sshll.u32 s4, $0x1;
	s4 =	sadd.s32 s22, s1  }
0x15: {  	[timem:s6], [sflag:s23] =	dma.local [hbm:s4], s21  }
0x16: {  	_ =	swait.ge [sflag:s23], s21  }
0x17: {  	s2 =	ssub.s32 $0x0, s21;
	[sflag:s23] =	ssyncset.done $0x0  }
0x18: {  	[sflag:s23] =	ssyncadd.s32 s2;
	_ =	sdelay $0x1  }
0x19: {  	s24 =	simm.s32 $0x1B8B  }
0x1a: {  	_ =	swait.ge [sflag:s24], $0x1  }
0x1b: {  	[sflag:s24] =	ssyncset.done $0x0  }
0x1c: {  	s26 =	simm.s32 $0x1B8E;
	s25 =	sld [smem:$0x3FFE];
	[sflag:s24] =	ssyncadd.s32 $0xFFFFFFFF  }
0x1d: {  	s27 =	simm.s32 $execute0_lowered;
	[smem:$0x3FD2] =	sst s26  }
0x1e: {  	s4 =	sshll.u32 s27, $0x1;
	_ =	strace $0x80000052;
	[dreg:$0x1] =	wrdreg $0xFFFFFFFF  }
0x1f: {  	s28 =	simm.s32 $_size_execute0_lowered;
	s1 =	sadd.s32 s1, s4;
	[dreg:$0x0] =	wrdreg $0x0  }
0x20: {  	s4 =	sshll.u32 s28, $0x1;
	[dreg:$0x2] =	wrdreg s1  }
0x21: {  	[dreg:$0x3] =	wrdreg s4  }
0x22: {  	[dreg:$0x4] =	wrdreg $0xC0  }
0x23: {  	_ =	task [dreg:s6], $0x5FFFF  }
0x24: {  	[dreg:$0x1] =	wrdreg $0xFFFFFFFF  }
0x25: {  	[dreg:$0x0] =	wrdreg $0x60  }
0x26: {  	[dreg:$0x2] =	wrdreg s25  }
0x27: {  	[dreg:$0x3] =	wrdreg $0x9  }
0x28: {  	_ =	task.clear_ibuf [dreg:s6], $0x4FFFF;
	_ =	strace $0x90000052  }
0x29: {  	s29 =	simm.s32 $0x9;
	_ =	strace $0x80000054  }
0x2a: {  	_ =	swait.ge [sflag:s29], $0x1  }
0x2b: {  	[sflag:s29] =	ssyncadd.s32 $0xFFFFFFFF  }
0x2c: {  	_ =	strace $0x90000054  }
0x2d: {  	_ =	sfence  }
0x2e: {  	s30 =	sld [smem:$0x0];
	_ =	sdelay $0x2  }
0x2f: {  	s31 =	sshll.u32 s3, $0xD;
	s3 =	sshrl.u32 s3, $0x2  }
0x30: {  	s2 =	sand.u32 $0x4000, s31;
	s1 =	sadd.s32 s3, s30  }
0x31: {  	s0 =	sor.u32 s2, s0;
	s1 =	sshll.u32 s1, $0x11  }
0x32: {  	s0 =	sor.u32 s1, s0  }
0x33: {  	s0 =	sadd.s32 $0x8F2B, s0  }
0x34: {  	[sflag:s0] =	ssyncadd.remote.s32 $0x1  }
0x35: {  	_ =	sfence.sel $0xFFFF  }
0x36: {  	[dreg:$0x0] =	wrdreg $0xFFFFFFFF;
	(pc) =	sbr.abs _section_cstart, $3  }
0x37: {  	[dreg:$0x1] =	wrdreg $0xFFFFFFFF  }
0x38: {  	_ =	task.clear_ibuf [dreg:s6], $0x2FFFF;
	_ =	strace $0x9FFFFFFF  }
0x39: {  	(tm) =	ssettm $0x7FFFFFFF  }
tec
execute0_lowered:
.L_overlay_start_1:
0x0: {  	(tag) =	ssettag $0x1  }
0x1: {  	s1 =	rddreg [dreg:$0x0]  }
0x2: {  	s0 =	rddreg [dreg:$0x1];
	_ =	strace $0x80000053  }
0x3: {  	s4 =	srdreg.scid;
	s6 =	simm.s32 $0x2;
	s12 =	simm.s32 $0x0  }
0x4: {  	p0 =	por $0x0, $0x0;
	s11 =	simm.s32 $0x0;
	s13 =	simm.s32 $0x0  }
.Ltmp0:
0x5: {  	s8 =	simm.s32 $0x0;
	s9 =	simm.s32 $0x0;
	(pc) =	sbr.rel .LBB1_1-.Ltmp0, $4  }
0x6: {  	s2 =	sadd.s32 $0xA80000, s1;
	s3 =	sadd.s32 $0x80000, s1;
	s4 =	sshll.u32 s4, $0x4  }
0x7: {  	s1 =	stileid.u32;
	s5 =	sand.u32 $0x10, s4;
	s4 =	simm.s32 $0x1  }
0x8: {  	s7 =	simm.s32 $0x0;
	s5 =	sor.u32 s1, s5;
	[sflag:s4] =	ssyncpa.u1 $0x0  }
0x9: {  	[sflag:s6] =	ssyncpa.u1 $0x0;
	s6 =	simm.s32 $0x2000;
	s10 =	smov.u32 s5  }
.LBB1_5:
0xa: {  	s14 =	sadd.s32 $0x1, s8  }
0xb: {  	s11 =	sadd.s32 $0x80, s9;
	s15 =	smov.u32 s9;
	p2 =	sgt.s32 s14, $0x13  }
0xc: {  	s15 =	smov.u32 @p2 s11  }
0xd: {  	s17 =	smov.u32 s10;
	s11 =	sadd.s32 $0x20, s10;
	p3 =	sgt.s32 s15, $0x3FF  }
0xe: {  	p1 =	slt.u32 s7, $0x2;
	s17 =	smov.u32 @p3 s11  }
0xf: {  	s7 =	sadd.s32 $0x1, s7;
	s14 =	simm.s32 @p2 $0x0;
	p2 =	sgt.s32 s17, $0x1F  }
0x10: {  	s17 =	smov.u32 @p2 s5;
	p2 =	sne.s32 s7, $0xA2  }
.Ltmp1:
0x11: {  	s16 =	simm.s32 @!p1 $0x2;
	(pc) =	sbr.rel @!p2 .LBB1_6-.Ltmp1, $4  }
0x12: {  	s12 =	smov.u32 s8;
	_ =	swait.ge @!p1 [sflag:s16], $0x2000  }
0x13: {  	s13 =	smov.u32 s10;
	p0 =	por !p0, !p0;
	[sflag:s16] =	ssyncset.done @!p1 $0x0  }
0x14: {  	s8 =	smov.u32 s14;
	s15 =	simm.s32 @p3 $0x0;
	s11 =	smov.u32 s9  }
0x15: {  	[sflag:s16] =	ssyncadd.s32 @!p1 $0xFFFFE000;
	s9 =	smov.u32 s15;
	s10 =	smov.u32 s17  }
.LBB1_1:
0x16: {  	p1 =	sgt.u32 s7, $0x9F  }
0x17: {  	s14 =	sand.u32 @!p1 $0x1FFFFFF, s8;
	s16 =	smul.u32 @!p1 $0x60000, s10  }
0x18: {  	s15 =	smulhi.u32 @!p1 $0xAAAAAAB, s14  }
0x19: {  	s18 =	smul.u32 @!p1 $0x180, s9  }
0x1a: {  	s15 =	smul.u32 @!p1 $0x18, s15  }
0x1b: {  	s16 =	sadd.s32 @!p1 s2, s16  }
0x1c: {  	s17 =	sxor.u32 @!p1 $0xFFFFFFFF, s7;
	s16 =	sadd.s32 @!p1 s18, s16;
	s14 =	ssub.s32 @!p1 s14, s15  }
0x1d: {  	s15 =	sshll.u32 @!p1 s17, $0xD;
	s17 =	simm.s32 @!p1 $0xC00;
	s14 =	sshll.u32 @!p1 s14, $0x4  }
0x1e: {  	s15 =	sand.u32 @!p1 $0x2000, s15;
	s14 =	sadd.s32 @!p1 s14, s16;
	s16 =	simm.s32 @!p1 $0x40  }
0x1f: {  	[tilespmem:s15], [sflag:$0x1] =	stream.strided.gather @!p1 [hbm4b:s14+s16], $0x2000, s17, s16, $0x38;
	[tilespmem:$0x8080] =	vst v63  }
0x20: {  	p1 =	seq.s32 s7, $0x0  }
0x21: {  	p2 =	seq.s32 @!p1 s7, $0xA1  }
0x22: {  	p1 =	por p1, p2  }
.Ltmp2:
0x23: {  	_ = 	snop;
	(pc) =	sbr.rel @p1 .LBB1_5-.Ltmp2, $1  }
0x24: {  	_ =	sdelay $0x3  }
0x25: {  	s14 =	simm.s32 $0x1  }
0x26: {  	_ =	swait.ge [sflag:s4], $0x2000;
	s14 =	simm.s32 @!p0 $0x0  }
0x27: {  	[sflag:s4] =	ssyncset.done $0x0;
	s15 =	sshll.u32 s14, $0xD  }
0x28: {  	[sflag:s4] =	ssyncadd.s32 $0xFFFFE000;
	s18 =	sor.u32 $0x20, s15  }
0x29: {  	s14 =	smul.u32 $0x8100, s14;
	v3 =	vld [tilespmem:s18+$0x10]  }
0x2a: {  	s30 =	sand.u32 $0x1, s7;
	v2 =	vld [tilespmem:s18+$0xFFFFFFF0]  }
0x2b: {  	s15 =	smul.u32 $0x8100, s30;
	s14 =	sshrl.u32 s14, $0x2;
	v0 =	vld [tilespmem:s18+$0x0]  }
0x2c: {  	v1 =	vld [tilespmem:s18+$0xFFFFFFE0];
	s16 =	sor.u32 $0x4000, s14  }
0x2d: {  	s31 =	sshrl.u32 s15, $0x2;
	s15 =	sadd.s32 $0x0, s16  }
0x2e: {  	s17 =	simm.s32 $0x4;
	s18 =	sadd.s32 $0x40, s18;
	s14 =	sor.u32 $0x4000, s31;
	[tilespmem:s15+$0x1830 ss:$0x81] =	vst.msk $0xffff, v3  }
.LBB1_3:
0x2f: {  	v3 =	vld [tilespmem:s18+$0x10];
	p1 =	sne.s32 s17, $0x1FC;
	[tilespmem:s15+$0x810 ss:$0x81] =	vst.msk $0xffff, v2;
	s19 =	smov.u32 s17;
	s17 =	sadd.s32 $0x4, s17  }
.Ltmp3:
0x30: {  	v2 =	vld [tilespmem:s18+$0xFFFFFFF0];
	[tilespmem:s15+$0x1020 ss:$0x81] =	vst.msk $0xffff, v0;
	(pc) =	sbr.rel @p1 .LBB1_3-.Ltmp3, $4  }
0x31: {  	v0 =	vld [tilespmem:s18+$0x0];
	[tilespmem:s15+$0x0 ss:$0x81] =	vst.msk $0xffff, v1  }
0x32: {  	s15 =	sshra.s32 s19, $0x2;
	v1 =	vld [tilespmem:s18+$0xFFFFFFE0]  }
0x33: {  	s15 =	sadd.s32 s15, s16  }
0x34: {  	s18 =	sadd.s32 $0x40, s18;
	[tilespmem:s15+$0x1830 ss:$0x81] =	vst.msk $0xffff, v3  }
0x35: {  	s13 =	smul.u32 $0x28000, s13  }
0x36: {  	s16 =	sand.u32 $0x1F80, s11  }
.Ltmp4:
0x37: {  	s12 =	sshll.u32 s12, $0xD;
	s13 =	sadd.s32 s3, s13;
	(pc) =	sbr.rel .LBB1_5-.Ltmp4, $4  }
0x38: {  	[tilespmem:s15+$0x810 ss:$0x81] =	vst.msk $0xffff, v2;
	s17 =	sshrl.u32 s11, $0x3;
	s30 =	sand.u32 $0x7, s11;
	s13 =	sadd.s32 s16, s13  }
0x39: {  	[tilespmem:s15+$0x1020 ss:$0x81] =	vst.msk $0xffff, v0;
	s31 =	sand.u32 $0xF, s17;
	s11 =	sshll.u32 s30, $0x12;
	s12 =	sadd.s32 s12, s13  }
0x3a: {  	[tilespmem:s15+$0x0 ss:$0x81] =	vst.msk $0xffff, v1;
	s11 =	sor.u32 $0x400, s11;
	s12 =	sadd.s32 s31, s12  }
0x3b: {  	[hbm4b:s12+s11] =	stream.strided.scatter [tilespmem:s14], [sflag:$0x2], $0x2000, s6, s11, $0x20;
	[tilespmem:$0x8080] =	vst v63  }
.LBB1_6:
0x3c: {  	_ =	sfence.sel $0x180000  }
0x3d: {  	s2 =	simm.s32 $0x1;
	[bflag:$0x0] =	sbarrier.arrive $0xFFFF  }
0x3e: {  	s31 =	simm.s32 $0x2;
	[sflag:s2] =	ssyncpa.u1 $0x1  }
0x3f: {  	[sflag:s31] =	ssyncpa.u1 $0x1  }
0x40: {  	p0 =	sne.s32 s1, $0x0;
	_ =	strace $0x90000053  }
0x41: {  	s0 =	sadd.s32 @!p0 $0x100000, s0;
	[bflag:$0x2] =	sbarrier.arrive $0xFFFF  }
0x42: {  	[sflag:s0] =	ssyncadd.tile.s32 @!p0 $0x1;
	_ =	shalt  }
.Lfunc_end1:
_tile_overlayer_lowered:
.L_overlay_start_2:
0x43: {  	(tag) =	ssettag $0x2  }
0x44: {  	s0 =	rddreg [dreg:$0x0];
	s2 =	stileid.u32  }
0x45: {  	s1 =	rddreg [dreg:$0x1];
	p0 =	sne.s32 s2, $0x0  }
0x46: {  	s3 =	rddreg [dreg:$0x2];
	[bflag:$0x3] =	sbarrier.arrive $0xFFFF;
	s2 =	simm.s32 @!p0 $0x1C01  }
0x47: {  	[timem:s3], [sflag:s2] =	dma.local @!p0 [hbm:s0], s1  }
0x48: {  	s0 =	simm.s32 @!p0 $0x1  }
0x49: {  	_ =	swait.ge @!p0 [sflag:s0], s1  }
0x4a: {  	s1 =	ssub.s32 @!p0 $0x0, s1;
	[sflag:s0] =	ssyncset.done @!p0 $0x0  }
0x4b: {  	[sflag:s0] =	ssyncadd.s32 @!p0 s1  }
0x4c: {  	[bflag:$0x3] =	sbarrier.arrive $0xFFFF  }
0x4d: {  	_ =	shalt  }

</sc_bundles>
